<compile_context>
chip_gen: v7x
topology: tpu7x:2x2x1
jax: 0.10.2.dev20260603
libtpu: 0.0.44.dev20260713+nightly
codegen_flags: <defaults>
</compile_context>

<pallas_src>
import jax
import jax.numpy as jnp
from jax import lax
from jax.experimental import pallas as pl
from jax.experimental.pallas import tpu as pltpu
from jax.experimental.pallas import tpu_sc as plsc

B, T, D, H = 16, 2048, 128, 64
L = 16


def _sc_body(ta_hbm, tb_hbm, lens_hbm, fa_hbm, fb_hbm, gf_hbm,
             tba, tbb, lens_v, rows_a, rows_b, gsel,
             sem_ta, sem_tb, sem_ln, sem_a, sem_b):
    row = lax.axis_index("s")

    cp_ta = pltpu.async_copy(ta_hbm.at[row], tba, sem_ta)
    cp_tb = pltpu.async_copy(tb_hbm.at[row], tbb, sem_tb)
    cp_ln = pltpu.async_copy(lens_hbm.at[row], lens_v, sem_ln)
    cp_ta.wait()
    cp_tb.wait()
    cp_ln.wait()

    lane = lax.iota(jnp.int32, L)
    len_a = lens_v[pl.ds(0, L)].astype(jnp.int32)
    len_b = lens_v[pl.ds(L, L)].astype(jnp.int32)

    U = 4
    STEP = U * L

    def body(c, carry):
        base = c * STEP
        out = []
        for u in range(2 * U):
            vmax, vidx = carry[u]
            pos = base + (u % U) * L + lane
            src = tba if u < U else tbb
            v = src[pl.ds(base + (u % U) * L, L)]
            val = jnp.where(pos < (len_a if u < U else len_b), v, 0.0)
            take = val >= vmax
            out.append((jnp.where(take, val, vmax),
                        jnp.where(take, pos, vidx)))
        return tuple(out)

    init = tuple((jnp.zeros((L,), jnp.float32), jnp.zeros((L,), jnp.int32))
                 for _ in range(2 * U))
    streams = lax.fori_loop(0, T // STEP, body, init)

    def merge(sub):
        sub = list(sub)
        while len(sub) > 1:
            nxt = []
            for a, b2 in zip(sub[0::2], sub[1::2]):
                (va, ia), (vb, ib) = a, b2
                takeb = (vb > va) | ((vb == va) & (ib > ia))
                nxt.append((jnp.where(takeb, vb, va),
                            jnp.where(takeb, ib, ia)))
            sub = nxt
        return sub[0]

    def reduce_lanes(vmax, vidx):
        mxs = [vmax[i] for i in range(L)]
        ixs = [vidx[i] for i in range(L)]
        m = mxs[0]
        for s in mxs[1:]:
            m = jnp.maximum(m, s)
        p = jnp.int32(-1)
        for s, ix in zip(mxs, ixs):
            p = jnp.where(s == m, jnp.maximum(p, ix), p)
        return m, p

    m_a, p_a = reduce_lanes(*merge(streams[:U]))
    m_b, p_b = reduce_lanes(*merge(streams[U:]))

    sel_b = m_b >= m_a
    p = jnp.where(sel_b, p_b, p_a)

    idxs = jnp.broadcast_to(row.astype(jnp.int32) * T + p, (L,))
    cp_a = pltpu.async_copy(fa_hbm.at[idxs], rows_a, sem_a)
    cp_b = pltpu.async_copy(fb_hbm.at[idxs], rows_b, sem_b)
    cp_a.wait()
    cp_b.wait()
    for k in range(D // L):
        sl = pl.ds(k * L, L)
        gsel[sl] = jnp.where(sel_b, rows_b[0, sl], rows_a[0, sl])
    gsel[pl.ds(D, L)] = jnp.broadcast_to(
        jnp.where(sel_b, 1.0, 0.0).astype(jnp.float32), (L,))
    pltpu.sync_copy(gsel, gf_hbm.at[row])


@jax.jit
def _sc_call(time_a, time_b, lens2, fa_flat, fb_flat):
    mesh = plsc.VectorSubcoreMesh(core_axis_name="c", subcore_axis_name="s",
                                  num_cores=1)
    return pl.kernel(
        _sc_body,
        out_type=jax.ShapeDtypeStruct((B, D + L), jnp.float32),
        mesh=mesh,
        scratch_types=[
            pltpu.VMEM((T,), jnp.float32),
            pltpu.VMEM((T,), jnp.float32),
            pltpu.VMEM((2 * L,), jnp.float32),
            pltpu.VMEM((L, D), jnp.float32),
            pltpu.VMEM((L, D), jnp.float32),
            pltpu.VMEM((D + L,), jnp.float32),
            pltpu.SemaphoreType.DMA,
            pltpu.SemaphoreType.DMA,
            pltpu.SemaphoreType.DMA,
            pltpu.SemaphoreType.DMA,
            pltpu.SemaphoreType.DMA,
        ],
    )(time_a, time_b, lens2, fa_flat, fb_flat)


def _tc_body(gf_ref, wa_ref, ba_ref, wb_ref, bb_ref, ws_ref, bs_ref, out_ref):
    g = gf_ref[:, 0:D]
    flag_b = gf_ref[:, D:D + 1] > 0.5
    ha = jnp.dot(g, wa_ref[...], preferred_element_type=jnp.float32) + ba_ref[...]
    hb = jnp.dot(g, wb_ref[...], preferred_element_type=jnp.float32) + bb_ref[...]
    h = jnp.where(flag_b, hb, ha)
    out_ref[...] = (
        jnp.dot(h, ws_ref[...], preferred_element_type=jnp.float32) + bs_ref[...])


@jax.jit
def _tc_call(gf, W_a, b_a, W_b, b_b, W_seq, b_seq):
    return pl.pallas_call(
        _tc_body,
        out_shape=jax.ShapeDtypeStruct((B, H), jnp.float32),
    )(gf, W_a, b_a, W_b, b_b, W_seq, b_seq)


def kernel(time_a, feat_a, len_a, time_b, feat_b, len_b,
           W_a, b_a, W_b, b_b, W_seq, b_seq):
    la = jnp.broadcast_to(len_a.astype(jnp.float32)[:, None], (B, L))
    lb = jnp.broadcast_to(len_b.astype(jnp.float32)[:, None], (B, L))
    lens2 = jnp.concatenate([la, lb], axis=1)
    gf = _sc_call(time_a, time_b, lens2,
                  feat_a.reshape(B * T, D), feat_b.reshape(B * T, D))
    return _tc_call(gf, W_a, b_a.reshape(1, H), W_b, b_b.reshape(1, H),
                    W_seq, b_seq.reshape(1, H))

# --- scband reference (transcript-rebuilt; emitter-appended) ---
"""Pipeline reference for scband-multi-modal-sort-time-seq-encoder-container-24996709663411 (READ-ONLY COPY).

The authoritative reference and input builder live on the scoring server;
editing this copy changes nothing except your own understanding.
"""

import jax, jax.numpy as jnp
import numpy as np

B, T, D, H = 16, 2048, 128, 64

def setup_inputs(seed: int = 0) -> dict:
    key = jax.random.key(seed)
    ks = jax.random.split(key, 12)
    time_a = jax.random.uniform(ks[0], (B, T), dtype=jnp.float32) + 0.01
    feat_a = jax.random.normal(ks[1], (B, T, D), dtype=jnp.float32)
    len_a = jax.random.randint(ks[2], (B,), 1, T + 1).astype(jnp.int64)
    time_b = jax.random.uniform(ks[3], (B, T), dtype=jnp.float32) + 0.01
    feat_b = jax.random.normal(ks[4], (B, T, D), dtype=jnp.float32)
    len_b = jax.random.randint(ks[5], (B,), 1, T + 1).astype(jnp.int64)
    W_a = jax.random.normal(ks[6], (D, H), dtype=jnp.float32) * 0.05
    b_a = jnp.zeros((H,), dtype=jnp.float32)
    W_b = jax.random.normal(ks[7], (D, H), dtype=jnp.float32) * 0.05
    b_b = jnp.zeros((H,), dtype=jnp.float32)
    W_seq = jax.random.normal(ks[8], (H, H), dtype=jnp.float32) * 0.05
    b_seq = jnp.zeros((H,), dtype=jnp.float32)
    return {"time_a": time_a, "feat_a": feat_a, "len_a": len_a,
            "time_b": time_b, "feat_b": feat_b, "len_b": len_b,
            "W_a": W_a, "b_a": b_a, "W_b": W_b, "b_b": b_b,
            "W_seq": W_seq, "b_seq": b_seq}

def reference(time_a, feat_a, len_a, time_b, feat_b, len_b, W_a, b_a, W_b, b_b, W_seq, b_seq):
    pos = jnp.arange(T)
    # event_time payload: zeros at padded positions (PaddedBatch convention)
    ta = jnp.where(pos[None, :] < len_a[:, None], time_a, 0.0)
    tb = jnp.where(pos[None, :] < len_b[:, None], time_b, 0.0)
    # per-modality trx_encoders (linear projection to shared input_size)
    ea = feat_a @ W_a + b_a
    eb = feat_b @ W_b + b_b
    # merge_by_time: concat along time, padded time -> inf, argsort, gather
    batch = jnp.concatenate([ea, eb], axis=1)          # [B, 2T, H]
    bt = jnp.concatenate([ta, tb], axis=1)             # [B, 2T]
    bt = jnp.where(bt == 0.0, jnp.inf, bt)
    idx = jnp.argsort(bt, axis=1)                      # [B, 2T]
    batch = jnp.take_along_axis(batch, idx[:, :, None], axis=1)
    length = len_a + len_b
    # seq_encoder with is_reduce_sequence=True: project, take last valid step
    h = batch @ W_seq + b_seq                          # [B, 2T, H]
    out = h[jnp.arange(B), length - 1, :]              # [B, H]
    return out

if __name__ == "__main__":
    import jax
    _d = setup_inputs()
    print(jax.jit(kernel)(*tuple(_d.values())))

</pallas_src>

<mosaic_0001>
#map = affine_map<(d0, d1) -> (0, 0)>
module attributes {stable_mosaic.version = 14 : i64} {
  func.func @_sc_body(%arg0: i32, %arg1: i32, %arg2: memref<16x2048xf32, #tpu.memory_space<hbm>>, %arg3: memref<16x2048xf32, #tpu.memory_space<hbm>>, %arg4: memref<16x32xf32, #tpu.memory_space<hbm>>, %arg5: memref<32768x128xf32, #tpu.memory_space<hbm>>, %arg6: memref<32768x128xf32, #tpu.memory_space<hbm>>, %arg7: memref<16x144xf32, #tpu.memory_space<hbm>>, %arg8: memref<2048xf32, #tpu.memory_space<vmem>>, %arg9: memref<2048xf32, #tpu.memory_space<vmem>>, %arg10: memref<32xf32, #tpu.memory_space<vmem>>, %arg11: memref<16x128xf32, #tpu.memory_space<vmem>>, %arg12: memref<16x128xf32, #tpu.memory_space<vmem>>, %arg13: memref<144xf32, #tpu.memory_space<vmem>>, %arg14: memref<!tpu.dma_semaphore, #tpu.memory_space<semaphore_mem>>, %arg15: memref<!tpu.dma_semaphore, #tpu.memory_space<semaphore_mem>>, %arg16: memref<!tpu.dma_semaphore, #tpu.memory_space<semaphore_mem>>, %arg17: memref<!tpu.dma_semaphore, #tpu.memory_space<semaphore_mem>>, %arg18: memref<!tpu.dma_semaphore, #tpu.memory_space<semaphore_mem>>) attributes {dimension_semantics = [#tpu.dimension_semantics<core_parallel>, #tpu.dimension_semantics<subcore_parallel>], iteration_bounds = array<i64: 1, 16>, scalar_prefetch = 0 : i64, scratch_operands = 11 : i64, tpu.core_type = #tpu.core_type<sc_vector_subcore>, window_params = [{transform_indices = #map}, {transform_indices = #map}, {transform_indices = #map}, {transform_indices = #map}, {transform_indices = #map}, {transform_indices = #map}]} {
    %dma_start3A = arith.constant 0 : i32
    %dma_start3A_0 = tpu.memref_slice %arg2[%arg1, %dma_start3A] : memref<16x2048xf32, #tpu.memory_space<hbm>> -> memref<1x2048xf32, #tpu.memory_space<hbm>>
    %dma_start3A_1 = tpu.memref_squeeze %dma_start3A_0 : memref<1x2048xf32, #tpu.memory_space<hbm>> -> memref<2048xf32, #tpu.memory_space<hbm>>
    %dma_start3A_2 = arith.constant 0 : i32
    %dma_start3A_3 = tpu.memref_slice %arg2[%arg1, %dma_start3A_2] : memref<16x2048xf32, #tpu.memory_space<hbm>> -> memref<1x2048xf32, #tpu.memory_space<hbm>>
    %dma_start3A_4 = tpu.memref_squeeze %dma_start3A_3 : memref<1x2048xf32, #tpu.memory_space<hbm>> -> memref<2048xf32, #tpu.memory_space<hbm>>
    tpu.enqueue_dma source(%dma_start3A_4 : memref<2048xf32, #tpu.memory_space<hbm>>) target(%arg8 : memref<2048xf32, #tpu.memory_space<vmem>>) target_semaphore(%arg14 : memref<!tpu.dma_semaphore, #tpu.memory_space<semaphore_mem>>)
    %dma_start3A_5 = arith.constant 0 : i32
    %dma_start3A_6 = tpu.memref_slice %arg3[%arg1, %dma_start3A_5] : memref<16x2048xf32, #tpu.memory_space<hbm>> -> memref<1x2048xf32, #tpu.memory_space<hbm>>
    %dma_start3A_7 = tpu.memref_squeeze %dma_start3A_6 : memref<1x2048xf32, #tpu.memory_space<hbm>> -> memref<2048xf32, #tpu.memory_space<hbm>>
    %dma_start3A_8 = arith.constant 0 : i32
    %dma_start3A_9 = tpu.memref_slice %arg3[%arg1, %dma_start3A_8] : memref<16x2048xf32, #tpu.memory_space<hbm>> -> memref<1x2048xf32, #tpu.memory_space<hbm>>
    %dma_start3A_10 = tpu.memref_squeeze %dma_start3A_9 : memref<1x2048xf32, #tpu.memory_space<hbm>> -> memref<2048xf32, #tpu.memory_space<hbm>>
    tpu.enqueue_dma source(%dma_start3A_10 : memref<2048xf32, #tpu.memory_space<hbm>>) target(%arg9 : memref<2048xf32, #tpu.memory_space<vmem>>) target_semaphore(%arg15 : memref<!tpu.dma_semaphore, #tpu.memory_space<semaphore_mem>>)
    %dma_start3A_11 = arith.constant 0 : i32
    %dma_start3A_12 = tpu.memref_slice %arg4[%arg1, %dma_start3A_11] : memref<16x32xf32, #tpu.memory_space<hbm>> -> memref<1x32xf32, #tpu.memory_space<hbm>>
    %dma_start3A_13 = tpu.memref_squeeze %dma_start3A_12 : memref<1x32xf32, #tpu.memory_space<hbm>> -> memref<32xf32, #tpu.memory_space<hbm>>
    %dma_start3A_14 = arith.constant 0 : i32
    %dma_start3A_15 = tpu.memref_slice %arg4[%arg1, %dma_start3A_14] : memref<16x32xf32, #tpu.memory_space<hbm>> -> memref<1x32xf32, #tpu.memory_space<hbm>>
    %dma_start3A_16 = tpu.memref_squeeze %dma_start3A_15 : memref<1x32xf32, #tpu.memory_space<hbm>> -> memref<32xf32, #tpu.memory_space<hbm>>
    tpu.enqueue_dma source(%dma_start3A_16 : memref<32xf32, #tpu.memory_space<hbm>>) target(%arg10 : memref<32xf32, #tpu.memory_space<vmem>>) target_semaphore(%arg16 : memref<!tpu.dma_semaphore, #tpu.memory_space<semaphore_mem>>)
    %dma_wait3A = arith.constant 0 : i32
    %dma_wait3A_17 = tpu.memref_slice %arg2[%arg1, %dma_wait3A] : memref<16x2048xf32, #tpu.memory_space<hbm>> -> memref<1x2048xf32, #tpu.memory_space<hbm>>
    %dma_wait3A_18 = tpu.memref_squeeze %dma_wait3A_17 : memref<1x2048xf32, #tpu.memory_space<hbm>> -> memref<2048xf32, #tpu.memory_space<hbm>>
    %dma_wait3A_19 = arith.constant 0 : i32
    %dma_wait3A_20 = tpu.memref_slice %arg2[%arg1, %dma_wait3A_19] : memref<16x2048xf32, #tpu.memory_space<hbm>> -> memref<1x2048xf32, #tpu.memory_space<hbm>>
    %dma_wait3A_21 = tpu.memref_squeeze %dma_wait3A_20 : memref<1x2048xf32, #tpu.memory_space<hbm>> -> memref<2048xf32, #tpu.memory_space<hbm>>
    tpu.wait_dma2 semaphore(%arg14 : memref<!tpu.dma_semaphore, #tpu.memory_space<semaphore_mem>>) src(%dma_wait3A_21 : memref<2048xf32, #tpu.memory_space<hbm>>) dst(%arg8 : memref<2048xf32, #tpu.memory_space<vmem>>)
    %dma_wait3A_22 = arith.constant 0 : i32
    %dma_wait3A_23 = tpu.memref_slice %arg3[%arg1, %dma_wait3A_22] : memref<16x2048xf32, #tpu.memory_space<hbm>> -> memref<1x2048xf32, #tpu.memory_space<hbm>>
    %dma_wait3A_24 = tpu.memref_squeeze %dma_wait3A_23 : memref<1x2048xf32, #tpu.memory_space<hbm>> -> memref<2048xf32, #tpu.memory_space<hbm>>
    %dma_wait3A_25 = arith.constant 0 : i32
    %dma_wait3A_26 = tpu.memref_slice %arg3[%arg1, %dma_wait3A_25] : memref<16x2048xf32, #tpu.memory_space<hbm>> -> memref<1x2048xf32, #tpu.memory_space<hbm>>
    %dma_wait3A_27 = tpu.memref_squeeze %dma_wait3A_26 : memref<1x2048xf32, #tpu.memory_space<hbm>> -> memref<2048xf32, #tpu.memory_space<hbm>>
    tpu.wait_dma2 semaphore(%arg15 : memref<!tpu.dma_semaphore, #tpu.memory_space<semaphore_mem>>) src(%dma_wait3A_27 : memref<2048xf32, #tpu.memory_space<hbm>>) dst(%arg9 : memref<2048xf32, #tpu.memory_space<vmem>>)
    %dma_wait3A_28 = arith.constant 0 : i32
    %dma_wait3A_29 = tpu.memref_slice %arg4[%arg1, %dma_wait3A_28] : memref<16x32xf32, #tpu.memory_space<hbm>> -> memref<1x32xf32, #tpu.memory_space<hbm>>
    %dma_wait3A_30 = tpu.memref_squeeze %dma_wait3A_29 : memref<1x32xf32, #tpu.memory_space<hbm>> -> memref<32xf32, #tpu.memory_space<hbm>>
    %dma_wait3A_31 = arith.constant 0 : i32
    %dma_wait3A_32 = tpu.memref_slice %arg4[%arg1, %dma_wait3A_31] : memref<16x32xf32, #tpu.memory_space<hbm>> -> memref<1x32xf32, #tpu.memory_space<hbm>>
    %dma_wait3A_33 = tpu.memref_squeeze %dma_wait3A_32 : memref<1x32xf32, #tpu.memory_space<hbm>> -> memref<32xf32, #tpu.memory_space<hbm>>
    tpu.wait_dma2 semaphore(%arg16 : memref<!tpu.dma_semaphore, #tpu.memory_space<semaphore_mem>>) src(%dma_wait3A_33 : memref<32xf32, #tpu.memory_space<hbm>>) dst(%arg10 : memref<32xf32, #tpu.memory_space<vmem>>)
    %iota3A = tpu.iota {dimensions = array<i32: 0>} : vector<16xi32>
    %get3A = arith.constant 0 : index
    %get3A_34 = tpu.vector_load %arg10[%get3A] {strides = array<i32>} : memref<32xf32, #tpu.memory_space<vmem>>, vector<16xf32>,
    %get3A_35 = vector.shape_cast %get3A_34 : vector<16xf32> to vector<16xf32>
    %convert_element_type3A = arith.fptosi %get3A_35 : vector<16xf32> to vector<16xi32>
    %get3A_36 = arith.constant 16 : index
    %get3A_37 = tpu.vector_load %arg10[%get3A_36] {strides = array<i32>} : memref<32xf32, #tpu.memory_space<vmem>>, vector<16xf32>,
    %get3A_38 = vector.shape_cast %get3A_37 : vector<16xf32> to vector<16xf32>
    %convert_element_type3A_39 = arith.fptosi %get3A_38 : vector<16xf32> to vector<16xi32>
    %broadcast_in_dim3A = arith.constant 0.000000e+00 : f32
    %broadcast_in_dim3A_40 = vector.broadcast %broadcast_in_dim3A : f32 to vector<16xf32>
    %broadcast_in_dim3A_41 = arith.constant 0 : i32
    %broadcast_in_dim3A_42 = vector.broadcast %broadcast_in_dim3A_41 : i32 to vector<16xi32>
    %broadcast_in_dim3A_43 = arith.constant 0.000000e+00 : f32
    %broadcast_in_dim3A_44 = vector.broadcast %broadcast_in_dim3A_43 : f32 to vector<16xf32>
    %broadcast_in_dim3A_45 = arith.constant 0 : i32
    %broadcast_in_dim3A_46 = vector.broadcast %broadcast_in_dim3A_45 : i32 to vector<16xi32>
    %broadcast_in_dim3A_47 = arith.constant 0.000000e+00 : f32
    %broadcast_in_dim3A_48 = vector.broadcast %broadcast_in_dim3A_47 : f32 to vector<16xf32>
    %broadcast_in_dim3A_49 = arith.constant 0 : i32
    %broadcast_in_dim3A_50 = vector.broadcast %broadcast_in_dim3A_49 : i32 to vector<16xi32>
    %broadcast_in_dim3A_51 = arith.constant 0.000000e+00 : f32
    %broadcast_in_dim3A_52 = vector.broadcast %broadcast_in_dim3A_51 : f32 to vector<16xf32>
    %broadcast_in_dim3A_53 = arith.constant 0 : i32
    %broadcast_in_dim3A_54 = vector.broadcast %broadcast_in_dim3A_53 : i32 to vector<16xi32>
    %broadcast_in_dim3A_55 = arith.constant 0.000000e+00 : f32
    %broadcast_in_dim3A_56 = vector.broadcast %broadcast_in_dim3A_55 : f32 to vector<16xf32>
    %broadcast_in_dim3A_57 = arith.constant 0 : i32
    %broadcast_in_dim3A_58 = vector.broadcast %broadcast_in_dim3A_57 : i32 to vector<16xi32>
    %broadcast_in_dim3A_59 = arith.constant 0.000000e+00 : f32
    %broadcast_in_dim3A_60 = vector.broadcast %broadcast_in_dim3A_59 : f32 to vector<16xf32>
    %broadcast_in_dim3A_61 = arith.constant 0 : i32
    %broadcast_in_dim3A_62 = vector.broadcast %broadcast_in_dim3A_61 : i32 to vector<16xi32>
    %broadcast_in_dim3A_63 = arith.constant 0.000000e+00 : f32
    %broadcast_in_dim3A_64 = vector.broadcast %broadcast_in_dim3A_63 : f32 to vector<16xf32>
    %broadcast_in_dim3A_65 = arith.constant 0 : i32
    %broadcast_in_dim3A_66 = vector.broadcast %broadcast_in_dim3A_65 : i32 to vector<16xi32>
    %broadcast_in_dim3A_67 = arith.constant 0.000000e+00 : f32
    %broadcast_in_dim3A_68 = vector.broadcast %broadcast_in_dim3A_67 : f32 to vector<16xf32>
    %broadcast_in_dim3A_69 = arith.constant 0 : i32
    %broadcast_in_dim3A_70 = vector.broadcast %broadcast_in_dim3A_69 : i32 to vector<16xi32>
    %scan3A = arith.constant 0 : i32
    %scan3A_71 = arith.constant 32 : i32
    %scan3A_72 = arith.addi %scan3A, %scan3A_71 : i32
    %scan3A_73 = arith.constant 1 : i32
    %scan3A_74:16 = scf.for %scan3A_509 = %scan3A to %scan3A_72 step %scan3A_73 iter_args(%scan3A_510 = %broadcast_in_dim3A_40, %scan3A_511 = %broadcast_in_dim3A_42, %scan3A_512 = %broadcast_in_dim3A_44, %scan3A_513 = %broadcast_in_dim3A_46, %scan3A_514 = %broadcast_in_dim3A_48, %scan3A_515 = %broadcast_in_dim3A_50, %scan3A_516 = %broadcast_in_dim3A_52, %scan3A_517 = %broadcast_in_dim3A_54, %scan3A_518 = %broadcast_in_dim3A_56, %scan3A_519 = %broadcast_in_dim3A_58, %scan3A_520 = %broadcast_in_dim3A_60, %scan3A_521 = %broadcast_in_dim3A_62, %scan3A_522 = %broadcast_in_dim3A_64, %scan3A_523 = %broadcast_in_dim3A_66, %scan3A_524 = %broadcast_in_dim3A_68, %scan3A_525 = %broadcast_in_dim3A_70) -> (vector<16xf32>, vector<16xi32>, vector<16xf32>, vector<16xi32>, vector<16xf32>, vector<16xi32>, vector<16xf32>, vector<16xi32>, vector<16xf32>, vector<16xi32>, vector<16xf32>, vector<16xi32>, vector<16xf32>, vector<16xi32>, vector<16xf32>, vector<16xi32>)  : i32 {
      %mul3A_526 = arith.constant 64 : i32
      %mul3A_527 = arith.muli %scan3A_509, %mul3A_526 : i32
      %add3A_528 = arith.constant 0 : i32
      %add3A_529 = arith.addi %mul3A_527, %add3A_528 : i32
      %add3A_530 = vector.broadcast %add3A_529 : i32 to vector<16xi32>
      %add3A_531 = arith.addi %add3A_530, %iota3A : vector<16xi32>
      %add3A_532 = arith.constant 0 : i32
      %add3A_533 = arith.addi %mul3A_527, %add3A_532 : i32
      %get3A_534 = arith.index_cast %add3A_533 : i32 to index
      %get3A_535 = tpu.vector_load %arg8[%get3A_534] {strides = array<i32>} : memref<2048xf32, #tpu.memory_space<vmem>>, vector<16xf32>,
      %get3A_536 = vector.shape_cast %get3A_535 : vector<16xf32> to vector<16xf32>
      %lt3A = arith.cmpi slt, %add3A_531, %convert_element_type3A : vector<16xi32>
      %jit3A_537 = arith.constant 0.000000e+00 : f32
      %broadcast_in_dim3A_538 = vector.broadcast %jit3A_537 : f32 to vector<16xf32>
      %select_n3A_539 = arith.select %lt3A, %get3A_536, %broadcast_in_dim3A_538 : vector<16xi1>, vector<16xf32>
      %ge3A_540 = arith.cmpf oge, %select_n3A_539, %scan3A_510 : vector<16xf32>
      %select_n3A_541 = arith.select %ge3A_540, %select_n3A_539, %scan3A_510 : vector<16xi1>, vector<16xf32>
      %select_n3A_542 = arith.select %ge3A_540, %add3A_531, %scan3A_511 : vector<16xi1>, vector<16xi32>
      %add3A_543 = arith.constant 16 : i32
      %add3A_544 = arith.addi %mul3A_527, %add3A_543 : i32
      %add3A_545 = vector.broadcast %add3A_544 : i32 to vector<16xi32>
      %add3A_546 = arith.addi %add3A_545, %iota3A : vector<16xi32>
      %add3A_547 = arith.constant 16 : i32
      %add3A_548 = arith.addi %mul3A_527, %add3A_547 : i32
      %get3A_549 = arith.index_cast %add3A_548 : i32 to index
      %get3A_550 = tpu.vector_load %arg8[%get3A_549] {strides = array<i32>} : memref<2048xf32, #tpu.memory_space<vmem>>, vector<16xf32>,
      %get3A_551 = vector.shape_cast %get3A_550 : vector<16xf32> to vector<16xf32>
      %lt3A_552 = arith.cmpi slt, %add3A_546, %convert_element_type3A : vector<16xi32>
      %jit3A_553 = arith.constant 0.000000e+00 : f32
      %broadcast_in_dim3A_554 = vector.broadcast %jit3A_553 : f32 to vector<16xf32>
      %select_n3A_555 = arith.select %lt3A_552, %get3A_551, %broadcast_in_dim3A_554 : vector<16xi1>, vector<16xf32>
      %ge3A_556 = arith.cmpf oge, %select_n3A_555, %scan3A_512 : vector<16xf32>
      %select_n3A_557 = arith.select %ge3A_556, %select_n3A_555, %scan3A_512 : vector<16xi1>, vector<16xf32>
      %select_n3A_558 = arith.select %ge3A_556, %add3A_546, %scan3A_513 : vector<16xi1>, vector<16xi32>
      %add3A_559 = arith.constant 32 : i32
      %add3A_560 = arith.addi %mul3A_527, %add3A_559 : i32
      %add3A_561 = vector.broadcast %add3A_560 : i32 to vector<16xi32>
      %add3A_562 = arith.addi %add3A_561, %iota3A : vector<16xi32>
      %add3A_563 = arith.constant 32 : i32
      %add3A_564 = arith.addi %mul3A_527, %add3A_563 : i32
      %get3A_565 = arith.index_cast %add3A_564 : i32 to index
      %get3A_566 = tpu.vector_load %arg8[%get3A_565] {strides = array<i32>} : memref<2048xf32, #tpu.memory_space<vmem>>, vector<16xf32>,
      %get3A_567 = vector.shape_cast %get3A_566 : vector<16xf32> to vector<16xf32>
      %lt3A_568 = arith.cmpi slt, %add3A_562, %convert_element_type3A : vector<16xi32>
      %jit3A_569 = arith.constant 0.000000e+00 : f32
      %broadcast_in_dim3A_570 = vector.broadcast %jit3A_569 : f32 to vector<16xf32>
      %select_n3A_571 = arith.select %lt3A_568, %get3A_567, %broadcast_in_dim3A_570 : vector<16xi1>, vector<16xf32>
      %ge3A_572 = arith.cmpf oge, %select_n3A_571, %scan3A_514 : vector<16xf32>
      %select_n3A_573 = arith.select %ge3A_572, %select_n3A_571, %scan3A_514 : vector<16xi1>, vector<16xf32>
      %select_n3A_574 = arith.select %ge3A_572, %add3A_562, %scan3A_515 : vector<16xi1>, vector<16xi32>
      %add3A_575 = arith.constant 48 : i32
      %add3A_576 = arith.addi %mul3A_527, %add3A_575 : i32
      %add3A_577 = vector.broadcast %add3A_576 : i32 to vector<16xi32>
      %add3A_578 = arith.addi %add3A_577, %iota3A : vector<16xi32>
      %add3A_579 = arith.constant 48 : i32
      %add3A_580 = arith.addi %mul3A_527, %add3A_579 : i32
      %get3A_581 = arith.index_cast %add3A_580 : i32 to index
      %get3A_582 = tpu.vector_load %arg8[%get3A_581] {strides = array<i32>} : memref<2048xf32, #tpu.memory_space<vmem>>, vector<16xf32>,
      %get3A_583 = vector.shape_cast %get3A_582 : vector<16xf32> to vector<16xf32>
      %lt3A_584 = arith.cmpi slt, %add3A_578, %convert_element_type3A : vector<16xi32>
      %jit3A_585 = arith.constant 0.000000e+00 : f32
      %broadcast_in_dim3A_586 = vector.broadcast %jit3A_585 : f32 to vector<16xf32>
      %select_n3A_587 = arith.select %lt3A_584, %get3A_583, %broadcast_in_dim3A_586 : vector<16xi1>, vector<16xf32>
      %ge3A_588 = arith.cmpf oge, %select_n3A_587, %scan3A_516 : vector<16xf32>
      %select_n3A_589 = arith.select %ge3A_588, %select_n3A_587, %scan3A_516 : vector<16xi1>, vector<16xf32>
      %select_n3A_590 = arith.select %ge3A_588, %add3A_578, %scan3A_517 : vector<16xi1>, vector<16xi32>
      %add3A_591 = arith.constant 0 : i32
      %add3A_592 = arith.addi %mul3A_527, %add3A_591 : i32
      %add3A_593 = vector.broadcast %add3A_592 : i32 to vector<16xi32>
      %add3A_594 = arith.addi %add3A_593, %iota3A : vector<16xi32>
      %add3A_595 = arith.constant 0 : i32
      %add3A_596 = arith.addi %mul3A_527, %add3A_595 : i32
      %get3A_597 = arith.index_cast %add3A_596 : i32 to index
      %get3A_598 = tpu.vector_load %arg9[%get3A_597] {strides = array<i32>} : memref<2048xf32, #tpu.memory_space<vmem>>, vector<16xf32>,
      %get3A_599 = vector.shape_cast %get3A_598 : vector<16xf32> to vector<16xf32>
      %lt3A_600 = arith.cmpi slt, %add3A_594, %convert_element_type3A_39 : vector<16xi32>
      %jit3A_601 = arith.constant 0.000000e+00 : f32
      %broadcast_in_dim3A_602 = vector.broadcast %jit3A_601 : f32 to vector<16xf32>
      %select_n3A_603 = arith.select %lt3A_600, %get3A_599, %broadcast_in_dim3A_602 : vector<16xi1>, vector<16xf32>
      %ge3A_604 = arith.cmpf oge, %select_n3A_603, %scan3A_518 : vector<16xf32>
      %select_n3A_605 = arith.select %ge3A_604, %select_n3A_603, %scan3A_518 : vector<16xi1>, vector<16xf32>
      %select_n3A_606 = arith.select %ge3A_604, %add3A_594, %scan3A_519 : vector<16xi1>, vector<16xi32>
      %add3A_607 = arith.constant 16 : i32
      %add3A_608 = arith.addi %mul3A_527, %add3A_607 : i32
      %add3A_609 = vector.broadcast %add3A_608 : i32 to vector<16xi32>
      %add3A_610 = arith.addi %add3A_609, %iota3A : vector<16xi32>
      %add3A_611 = arith.constant 16 : i32
      %add3A_612 = arith.addi %mul3A_527, %add3A_611 : i32
      %get3A_613 = arith.index_cast %add3A_612 : i32 to index
      %get3A_614 = tpu.vector_load %arg9[%get3A_613] {strides = array<i32>} : memref<2048xf32, #tpu.memory_space<vmem>>, vector<16xf32>,
      %get3A_615 = vector.shape_cast %get3A_614 : vector<16xf32> to vector<16xf32>
      %lt3A_616 = arith.cmpi slt, %add3A_610, %convert_element_type3A_39 : vector<16xi32>
      %jit3A_617 = arith.constant 0.000000e+00 : f32
      %broadcast_in_dim3A_618 = vector.broadcast %jit3A_617 : f32 to vector<16xf32>
      %select_n3A_619 = arith.select %lt3A_616, %get3A_615, %broadcast_in_dim3A_618 : vector<16xi1>, vector<16xf32>
      %ge3A_620 = arith.cmpf oge, %select_n3A_619, %scan3A_520 : vector<16xf32>
      %select_n3A_621 = arith.select %ge3A_620, %select_n3A_619, %scan3A_520 : vector<16xi1>, vector<16xf32>
      %select_n3A_622 = arith.select %ge3A_620, %add3A_610, %scan3A_521 : vector<16xi1>, vector<16xi32>
      %add3A_623 = arith.constant 32 : i32
      %add3A_624 = arith.addi %mul3A_527, %add3A_623 : i32
      %add3A_625 = vector.broadcast %add3A_624 : i32 to vector<16xi32>
      %add3A_626 = arith.addi %add3A_625, %iota3A : vector<16xi32>
      %add3A_627 = arith.constant 32 : i32
      %add3A_628 = arith.addi %mul3A_527, %add3A_627 : i32
      %get3A_629 = arith.index_cast %add3A_628 : i32 to index
      %get3A_630 = tpu.vector_load %arg9[%get3A_629] {strides = array<i32>} : memref<2048xf32, #tpu.memory_space<vmem>>, vector<16xf32>,
      %get3A_631 = vector.shape_cast %get3A_630 : vector<16xf32> to vector<16xf32>
      %lt3A_632 = arith.cmpi slt, %add3A_626, %convert_element_type3A_39 : vector<16xi32>
      %jit3A_633 = arith.constant 0.000000e+00 : f32
      %broadcast_in_dim3A_634 = vector.broadcast %jit3A_633 : f32 to vector<16xf32>
      %select_n3A_635 = arith.select %lt3A_632, %get3A_631, %broadcast_in_dim3A_634 : vector<16xi1>, vector<16xf32>
      %ge3A_636 = arith.cmpf oge, %select_n3A_635, %scan3A_522 : vector<16xf32>
      %select_n3A_637 = arith.select %ge3A_636, %select_n3A_635, %scan3A_522 : vector<16xi1>, vector<16xf32>
      %select_n3A_638 = arith.select %ge3A_636, %add3A_626, %scan3A_523 : vector<16xi1>, vector<16xi32>
      %add3A_639 = arith.constant 48 : i32
      %add3A_640 = arith.addi %mul3A_527, %add3A_639 : i32
      %add3A_641 = vector.broadcast %add3A_640 : i32 to vector<16xi32>
      %add3A_642 = arith.addi %add3A_641, %iota3A : vector<16xi32>
      %add3A_643 = arith.constant 48 : i32
      %add3A_644 = arith.addi %mul3A_527, %add3A_643 : i32
      %get3A_645 = arith.index_cast %add3A_644 : i32 to index
      %get3A_646 = tpu.vector_load %arg9[%get3A_645] {strides = array<i32>} : memref<2048xf32, #tpu.memory_space<vmem>>, vector<16xf32>,
      %get3A_647 = vector.shape_cast %get3A_646 : vector<16xf32> to vector<16xf32>
      %lt3A_648 = arith.cmpi slt, %add3A_642, %convert_element_type3A_39 : vector<16xi32>
      %jit3A_649 = arith.constant 0.000000e+00 : f32
      %broadcast_in_dim3A_650 = vector.broadcast %jit3A_649 : f32 to vector<16xf32>
      %select_n3A_651 = arith.select %lt3A_648, %get3A_647, %broadcast_in_dim3A_650 : vector<16xi1>, vector<16xf32>
      %ge3A_652 = arith.cmpf oge, %select_n3A_651, %scan3A_524 : vector<16xf32>
      %select_n3A_653 = arith.select %ge3A_652, %select_n3A_651, %scan3A_524 : vector<16xi1>, vector<16xf32>
      %select_n3A_654 = arith.select %ge3A_652, %add3A_642, %scan3A_525 : vector<16xi1>, vector<16xi32>
      scf.yield %select_n3A_541, %select_n3A_542, %select_n3A_557, %select_n3A_558, %select_n3A_573, %select_n3A_574, %select_n3A_589, %select_n3A_590, %select_n3A_605, %select_n3A_606, %select_n3A_621, %select_n3A_622, %select_n3A_637, %select_n3A_638, %select_n3A_653, %select_n3A_654 : vector<16xf32>, vector<16xi32>, vector<16xf32>, vector<16xi32>, vector<16xf32>, vector<16xi32>, vector<16xf32>, vector<16xi32>, vector<16xf32>, vector<16xi32>, vector<16xf32>, vector<16xi32>, vector<16xf32>, vector<16xi32>, vector<16xf32>, vector<16xi32>
    }
    %scan3A_75 = arith.constant 32 : i32
    %gt3A = arith.cmpf ogt, %scan3A_74#2, %scan3A_74#0 : vector<16xf32>
    %eq3A = arith.cmpf oeq, %scan3A_74#2, %scan3A_74#0 : vector<16xf32>
    %gt3A_76 = arith.cmpi sgt, %scan3A_74#3, %scan3A_74#1 : vector<16xi32>
    %and3A = arith.andi %eq3A, %gt3A_76 : vector<16xi1>
    %or3A = arith.ori %gt3A, %and3A : vector<16xi1>
    %select_n3A = arith.select %or3A, %scan3A_74#2, %scan3A_74#0 : vector<16xi1>, vector<16xf32>
    %select_n3A_77 = arith.select %or3A, %scan3A_74#3, %scan3A_74#1 : vector<16xi1>, vector<16xi32>
    %gt3A_78 = arith.cmpf ogt, %scan3A_74#6, %scan3A_74#4 : vector<16xf32>
    %eq3A_79 = arith.cmpf oeq, %scan3A_74#6, %scan3A_74#4 : vector<16xf32>
    %gt3A_80 = arith.cmpi sgt, %scan3A_74#7, %scan3A_74#5 : vector<16xi32>
    %and3A_81 = arith.andi %eq3A_79, %gt3A_80 : vector<16xi1>
    %or3A_82 = arith.ori %gt3A_78, %and3A_81 : vector<16xi1>
    %select_n3A_83 = arith.select %or3A_82, %scan3A_74#6, %scan3A_74#4 : vector<16xi1>, vector<16xf32>
    %select_n3A_84 = arith.select %or3A_82, %scan3A_74#7, %scan3A_74#5 : vector<16xi1>, vector<16xi32>
    %gt3A_85 = arith.cmpf ogt, %select_n3A_83, %select_n3A : vector<16xf32>
    %eq3A_86 = arith.cmpf oeq, %select_n3A_83, %select_n3A : vector<16xf32>
    %gt3A_87 = arith.cmpi sgt, %select_n3A_84, %select_n3A_77 : vector<16xi32>
    %and3A_88 = arith.andi %eq3A_86, %gt3A_87 : vector<16xi1>
    %or3A_89 = arith.ori %gt3A_85, %and3A_88 : vector<16xi1>
    %select_n3A_90 = arith.select %or3A_89, %select_n3A_83, %select_n3A : vector<16xi1>, vector<16xf32>
    %select_n3A_91 = arith.select %or3A_89, %select_n3A_84, %select_n3A_77 : vector<16xi1>, vector<16xi32>
    %slice3A = vector.extract_strided_slice %select_n3A_90 {offsets = [0], sizes = [1], strides = [1]} : vector<16xf32> to vector<1xf32>
    %squeeze3A = vector.extract %slice3A[0] : f32 from vector<1xf32>
    %slice3A_92 = vector.extract_strided_slice %select_n3A_90 {offsets = [1], sizes = [1], strides = [1]} : vector<16xf32> to vector<1xf32>
    %squeeze3A_93 = vector.extract %slice3A_92[0] : f32 from vector<1xf32>
    %slice3A_94 = vector.extract_strided_slice %select_n3A_90 {offsets = [2], sizes = [1], strides = [1]} : vector<16xf32> to vector<1xf32>
    %squeeze3A_95 = vector.extract %slice3A_94[0] : f32 from vector<1xf32>
    %slice3A_96 = vector.extract_strided_slice %select_n3A_90 {offsets = [3], sizes = [1], strides = [1]} : vector<16xf32> to vector<1xf32>
    %squeeze3A_97 = vector.extract %slice3A_96[0] : f32 from vector<1xf32>
    %slice3A_98 = vector.extract_strided_slice %select_n3A_90 {offsets = [4], sizes = [1], strides = [1]} : vector<16xf32> to vector<1xf32>
    %squeeze3A_99 = vector.extract %slice3A_98[0] : f32 from vector<1xf32>
    %slice3A_100 = vector.extract_strided_slice %select_n3A_90 {offsets = [5], sizes = [1], strides = [1]} : vector<16xf32> to vector<1xf32>
    %squeeze3A_101 = vector.extract %slice3A_100[0] : f32 from vector<1xf32>
    %slice3A_102 = vector.extract_strided_slice %select_n3A_90 {offsets = [6], sizes = [1], strides = [1]} : vector<16xf32> to vector<1xf32>
    %squeeze3A_103 = vector.extract %slice3A_102[0] : f32 from vector<1xf32>
    %slice3A_104 = vector.extract_strided_slice %select_n3A_90 {offsets = [7], sizes = [1], strides = [1]} : vector<16xf32> to vector<1xf32>
    %squeeze3A_105 = vector.extract %slice3A_104[0] : f32 from vector<1xf32>
    %slice3A_106 = vector.extract_strided_slice %select_n3A_90 {offsets = [8], sizes = [1], strides = [1]} : vector<16xf32> to vector<1xf32>
    %squeeze3A_107 = vector.extract %slice3A_106[0] : f32 from vector<1xf32>
    %slice3A_108 = vector.extract_strided_slice %select_n3A_90 {offsets = [9], sizes = [1], strides = [1]} : vector<16xf32> to vector<1xf32>
    %squeeze3A_109 = vector.extract %slice3A_108[0] : f32 from vector<1xf32>
    %slice3A_110 = vector.extract_strided_slice %select_n3A_90 {offsets = [10], sizes = [1], strides = [1]} : vector<16xf32> to vector<1xf32>
    %squeeze3A_111 = vector.extract %slice3A_110[0] : f32 from vector<1xf32>
    %slice3A_112 = vector.extract_strided_slice %select_n3A_90 {offsets = [11], sizes = [1], strides = [1]} : vector<16xf32> to vector<1xf32>
    %squeeze3A_113 = vector.extract %slice3A_112[0] : f32 from vector<1xf32>
    %slice3A_114 = vector.extract_strided_slice %select_n3A_90 {offsets = [12], sizes = [1], strides = [1]} : vector<16xf32> to vector<1xf32>
    %squeeze3A_115 = vector.extract %slice3A_114[0] : f32 from vector<1xf32>
    %slice3A_116 = vector.extract_strided_slice %select_n3A_90 {offsets = [13], sizes = [1], strides = [1]} : vector<16xf32> to vector<1xf32>
    %squeeze3A_117 = vector.extract %slice3A_116[0] : f32 from vector<1xf32>
    %slice3A_118 = vector.extract_strided_slice %select_n3A_90 {offsets = [14], sizes = [1], strides = [1]} : vector<16xf32> to vector<1xf32>
    %squeeze3A_119 = vector.extract %slice3A_118[0] : f32 from vector<1xf32>
    %slice3A_120 = vector.extract_strided_slice %select_n3A_90 {offsets = [15], sizes = [1], strides = [1]} : vector<16xf32> to vector<1xf32>
    %squeeze3A_121 = vector.extract %slice3A_120[0] : f32 from vector<1xf32>
    %slice3A_122 = vector.extract_strided_slice %select_n3A_91 {offsets = [0], sizes = [1], strides = [1]} : vector<16xi32> to vector<1xi32>
    %squeeze3A_123 = vector.extract %slice3A_122[0] : i32 from vector<1xi32>
    %slice3A_124 = vector.extract_strided_slice %select_n3A_91 {offsets = [1], sizes = [1], strides = [1]} : vector<16xi32> to vector<1xi32>
    %squeeze3A_125 = vector.extract %slice3A_124[0] : i32 from vector<1xi32>
    %slice3A_126 = vector.extract_strided_slice %select_n3A_91 {offsets = [2], sizes = [1], strides = [1]} : vector<16xi32> to vector<1xi32>
    %squeeze3A_127 = vector.extract %slice3A_126[0] : i32 from vector<1xi32>
    %slice3A_128 = vector.extract_strided_slice %select_n3A_91 {offsets = [3], sizes = [1], strides = [1]} : vector<16xi32> to vector<1xi32>
    %squeeze3A_129 = vector.extract %slice3A_128[0] : i32 from vector<1xi32>
    %slice3A_130 = vector.extract_strided_slice %select_n3A_91 {offsets = [4], sizes = [1], strides = [1]} : vector<16xi32> to vector<1xi32>
    %squeeze3A_131 = vector.extract %slice3A_130[0] : i32 from vector<1xi32>
    %slice3A_132 = vector.extract_strided_slice %select_n3A_91 {offsets = [5], sizes = [1], strides = [1]} : vector<16xi32> to vector<1xi32>
    %squeeze3A_133 = vector.extract %slice3A_132[0] : i32 from vector<1xi32>
    %slice3A_134 = vector.extract_strided_slice %select_n3A_91 {offsets = [6], sizes = [1], strides = [1]} : vector<16xi32> to vector<1xi32>
    %squeeze3A_135 = vector.extract %slice3A_134[0] : i32 from vector<1xi32>
    %slice3A_136 = vector.extract_strided_slice %select_n3A_91 {offsets = [7], sizes = [1], strides = [1]} : vector<16xi32> to vector<1xi32>
    %squeeze3A_137 = vector.extract %slice3A_136[0] : i32 from vector<1xi32>
    %slice3A_138 = vector.extract_strided_slice %select_n3A_91 {offsets = [8], sizes = [1], strides = [1]} : vector<16xi32> to vector<1xi32>
    %squeeze3A_139 = vector.extract %slice3A_138[0] : i32 from vector<1xi32>
    %slice3A_140 = vector.extract_strided_slice %select_n3A_91 {offsets = [9], sizes = [1], strides = [1]} : vector<16xi32> to vector<1xi32>
    %squeeze3A_141 = vector.extract %slice3A_140[0] : i32 from vector<1xi32>
    %slice3A_142 = vector.extract_strided_slice %select_n3A_91 {offsets = [10], sizes = [1], strides = [1]} : vector<16xi32> to vector<1xi32>
    %squeeze3A_143 = vector.extract %slice3A_142[0] : i32 from vector<1xi32>
    %slice3A_144 = vector.extract_strided_slice %select_n3A_91 {offsets = [11], sizes = [1], strides = [1]} : vector<16xi32> to vector<1xi32>
    %squeeze3A_145 = vector.extract %slice3A_144[0] : i32 from vector<1xi32>
    %slice3A_146 = vector.extract_strided_slice %select_n3A_91 {offsets = [12], sizes = [1], strides = [1]} : vector<16xi32> to vector<1xi32>
    %squeeze3A_147 = vector.extract %slice3A_146[0] : i32 from vector<1xi32>
    %slice3A_148 = vector.extract_strided_slice %select_n3A_91 {offsets = [13], sizes = [1], strides = [1]} : vector<16xi32> to vector<1xi32>
    %squeeze3A_149 = vector.extract %slice3A_148[0] : i32 from vector<1xi32>
    %slice3A_150 = vector.extract_strided_slice %select_n3A_91 {offsets = [14], sizes = [1], strides = [1]} : vector<16xi32> to vector<1xi32>
    %squeeze3A_151 = vector.extract %slice3A_150[0] : i32 from vector<1xi32>
    %slice3A_152 = vector.extract_strided_slice %select_n3A_91 {offsets = [15], sizes = [1], strides = [1]} : vector<16xi32> to vector<1xi32>
    %squeeze3A_153 = vector.extract %slice3A_152[0] : i32 from vector<1xi32>
    %max3A = arith.maximumf %squeeze3A, %squeeze3A_93 : f32
    %max3A_154 = arith.maximumf %max3A, %squeeze3A_95 : f32
    %max3A_155 = arith.maximumf %max3A_154, %squeeze3A_97 : f32
    %max3A_156 = arith.maximumf %max3A_155, %squeeze3A_99 : f32
    %max3A_157 = arith.maximumf %max3A_156, %squeeze3A_101 : f32
    %max3A_158 = arith.maximumf %max3A_157, %squeeze3A_103 : f32
    %max3A_159 = arith.maximumf %max3A_158, %squeeze3A_105 : f32
    %max3A_160 = arith.maximumf %max3A_159, %squeeze3A_107 : f32
    %max3A_161 = arith.maximumf %max3A_160, %squeeze3A_109 : f32
    %max3A_162 = arith.maximumf %max3A_161, %squeeze3A_111 : f32
    %max3A_163 = arith.maximumf %max3A_162, %squeeze3A_113 : f32
    %max3A_164 = arith.maximumf %max3A_163, %squeeze3A_115 : f32
    %max3A_165 = arith.maximumf %max3A_164, %squeeze3A_117 : f32
    %max3A_166 = arith.maximumf %max3A_165, %squeeze3A_119 : f32
    %max3A_167 = arith.maximumf %max3A_166, %squeeze3A_121 : f32
    %eq3A_168 = arith.cmpf oeq, %squeeze3A, %max3A_167 : f32
    %max3A_169 = arith.constant -1 : i32
    %max3A_170 = arith.maxsi %max3A_169, %squeeze3A_123 : i32
    %jit3A = arith.constant -1 : i32
    %select_n3A_171 = arith.select %eq3A_168, %max3A_170, %jit3A : i32
    %eq3A_172 = arith.cmpf oeq, %squeeze3A_93, %max3A_167 : f32
    %max3A_173 = arith.maxsi %select_n3A_171, %squeeze3A_125 : i32
    %select_n3A_174 = arith.select %eq3A_172, %max3A_173, %select_n3A_171 : i32
    %eq3A_175 = arith.cmpf oeq, %squeeze3A_95, %max3A_167 : f32
    %max3A_176 = arith.maxsi %select_n3A_174, %squeeze3A_127 : i32
    %select_n3A_177 = arith.select %eq3A_175, %max3A_176, %select_n3A_174 : i32
    %eq3A_178 = arith.cmpf oeq, %squeeze3A_97, %max3A_167 : f32
    %max3A_179 = arith.maxsi %select_n3A_177, %squeeze3A_129 : i32
    %select_n3A_180 = arith.select %eq3A_178, %max3A_179, %select_n3A_177 : i32
    %eq3A_181 = arith.cmpf oeq, %squeeze3A_99, %max3A_167 : f32
    %max3A_182 = arith.maxsi %select_n3A_180, %squeeze3A_131 : i32
    %select_n3A_183 = arith.select %eq3A_181, %max3A_182, %select_n3A_180 : i32
    %eq3A_184 = arith.cmpf oeq, %squeeze3A_101, %max3A_167 : f32
    %max3A_185 = arith.maxsi %select_n3A_183, %squeeze3A_133 : i32
    %select_n3A_186 = arith.select %eq3A_184, %max3A_185, %select_n3A_183 : i32
    %eq3A_187 = arith.cmpf oeq, %squeeze3A_103, %max3A_167 : f32
    %max3A_188 = arith.maxsi %select_n3A_186, %squeeze3A_135 : i32
    %select_n3A_189 = arith.select %eq3A_187, %max3A_188, %select_n3A_186 : i32
    %eq3A_190 = arith.cmpf oeq, %squeeze3A_105, %max3A_167 : f32
    %max3A_191 = arith.maxsi %select_n3A_189, %squeeze3A_137 : i32
    %select_n3A_192 = arith.select %eq3A_190, %max3A_191, %select_n3A_189 : i32
    %eq3A_193 = arith.cmpf oeq, %squeeze3A_107, %max3A_167 : f32
    %max3A_194 = arith.maxsi %select_n3A_192, %squeeze3A_139 : i32
    %select_n3A_195 = arith.select %eq3A_193, %max3A_194, %select_n3A_192 : i32
    %eq3A_196 = arith.cmpf oeq, %squeeze3A_109, %max3A_167 : f32
    %max3A_197 = arith.maxsi %select_n3A_195, %squeeze3A_141 : i32
    %select_n3A_198 = arith.select %eq3A_196, %max3A_197, %select_n3A_195 : i32
    %eq3A_199 = arith.cmpf oeq, %squeeze3A_111, %max3A_167 : f32
    %max3A_200 = arith.maxsi %select_n3A_198, %squeeze3A_143 : i32
    %select_n3A_201 = arith.select %eq3A_199, %max3A_200, %select_n3A_198 : i32
    %eq3A_202 = arith.cmpf oeq, %squeeze3A_113, %max3A_167 : f32
    %max3A_203 = arith.maxsi %select_n3A_201, %squeeze3A_145 : i32
    %select_n3A_204 = arith.select %eq3A_202, %max3A_203, %select_n3A_201 : i32
    %eq3A_205 = arith.cmpf oeq, %squeeze3A_115, %max3A_167 : f32
    %max3A_206 = arith.maxsi %select_n3A_204, %squeeze3A_147 : i32
    %select_n3A_207 = arith.select %eq3A_205, %max3A_206, %select_n3A_204 : i32
    %eq3A_208 = arith.cmpf oeq, %squeeze3A_117, %max3A_167 : f32
    %max3A_209 = arith.maxsi %select_n3A_207, %squeeze3A_149 : i32
    %select_n3A_210 = arith.select %eq3A_208, %max3A_209, %select_n3A_207 : i32
    %eq3A_211 = arith.cmpf oeq, %squeeze3A_119, %max3A_167 : f32
    %max3A_212 = arith.maxsi %select_n3A_210, %squeeze3A_151 : i32
    %select_n3A_213 = arith.select %eq3A_211, %max3A_212, %select_n3A_210 : i32
    %eq3A_214 = arith.cmpf oeq, %squeeze3A_121, %max3A_167 : f32
    %max3A_215 = arith.maxsi %select_n3A_213, %squeeze3A_153 : i32
    %select_n3A_216 = arith.select %eq3A_214, %max3A_215, %select_n3A_213 : i32
    %gt3A_217 = arith.cmpf ogt, %scan3A_74#10, %scan3A_74#8 : vector<16xf32>
    %eq3A_218 = arith.cmpf oeq, %scan3A_74#10, %scan3A_74#8 : vector<16xf32>
    %gt3A_219 = arith.cmpi sgt, %scan3A_74#11, %scan3A_74#9 : vector<16xi32>
    %and3A_220 = arith.andi %eq3A_218, %gt3A_219 : vector<16xi1>
    %or3A_221 = arith.ori %gt3A_217, %and3A_220 : vector<16xi1>
    %select_n3A_222 = arith.select %or3A_221, %scan3A_74#10, %scan3A_74#8 : vector<16xi1>, vector<16xf32>
    %select_n3A_223 = arith.select %or3A_221, %scan3A_74#11, %scan3A_74#9 : vector<16xi1>, vector<16xi32>
    %gt3A_224 = arith.cmpf ogt, %scan3A_74#14, %scan3A_74#12 : vector<16xf32>
    %eq3A_225 = arith.cmpf oeq, %scan3A_74#14, %scan3A_74#12 : vector<16xf32>
    %gt3A_226 = arith.cmpi sgt, %scan3A_74#15, %scan3A_74#13 : vector<16xi32>
    %and3A_227 = arith.andi %eq3A_225, %gt3A_226 : vector<16xi1>
    %or3A_228 = arith.ori %gt3A_224, %and3A_227 : vector<16xi1>
    %select_n3A_229 = arith.select %or3A_228, %scan3A_74#14, %scan3A_74#12 : vector<16xi1>, vector<16xf32>
    %select_n3A_230 = arith.select %or3A_228, %scan3A_74#15, %scan3A_74#13 : vector<16xi1>, vector<16xi32>
    %gt3A_231 = arith.cmpf ogt, %select_n3A_229, %select_n3A_222 : vector<16xf32>
    %eq3A_232 = arith.cmpf oeq, %select_n3A_229, %select_n3A_222 : vector<16xf32>
    %gt3A_233 = arith.cmpi sgt, %select_n3A_230, %select_n3A_223 : vector<16xi32>
    %and3A_234 = arith.andi %eq3A_232, %gt3A_233 : vector<16xi1>
    %or3A_235 = arith.ori %gt3A_231, %and3A_234 : vector<16xi1>
    %select_n3A_236 = arith.select %or3A_235, %select_n3A_229, %select_n3A_222 : vector<16xi1>, vector<16xf32>
    %select_n3A_237 = arith.select %or3A_235, %select_n3A_230, %select_n3A_223 : vector<16xi1>, vector<16xi32>
    %slice3A_238 = vector.extract_strided_slice %select_n3A_236 {offsets = [0], sizes = [1], strides = [1]} : vector<16xf32> to vector<1xf32>
    %squeeze3A_239 = vector.extract %slice3A_238[0] : f32 from vector<1xf32>
    %slice3A_240 = vector.extract_strided_slice %select_n3A_236 {offsets = [1], sizes = [1], strides = [1]} : vector<16xf32> to vector<1xf32>
    %squeeze3A_241 = vector.extract %slice3A_240[0] : f32 from vector<1xf32>
    %slice3A_242 = vector.extract_strided_slice %select_n3A_236 {offsets = [2], sizes = [1], strides = [1]} : vector<16xf32> to vector<1xf32>
    %squeeze3A_243 = vector.extract %slice3A_242[0] : f32 from vector<1xf32>
    %slice3A_244 = vector.extract_strided_slice %select_n3A_236 {offsets = [3], sizes = [1], strides = [1]} : vector<16xf32> to vector<1xf32>
    %squeeze3A_245 = vector.extract %slice3A_244[0] : f32 from vector<1xf32>
    %slice3A_246 = vector.extract_strided_slice %select_n3A_236 {offsets = [4], sizes = [1], strides = [1]} : vector<16xf32> to vector<1xf32>
    %squeeze3A_247 = vector.extract %slice3A_246[0] : f32 from vector<1xf32>
    %slice3A_248 = vector.extract_strided_slice %select_n3A_236 {offsets = [5], sizes = [1], strides = [1]} : vector<16xf32> to vector<1xf32>
    %squeeze3A_249 = vector.extract %slice3A_248[0] : f32 from vector<1xf32>
    %slice3A_250 = vector.extract_strided_slice %select_n3A_236 {offsets = [6], sizes = [1], strides = [1]} : vector<16xf32> to vector<1xf32>
    %squeeze3A_251 = vector.extract %slice3A_250[0] : f32 from vector<1xf32>
    %slice3A_252 = vector.extract_strided_slice %select_n3A_236 {offsets = [7], sizes = [1], strides = [1]} : vector<16xf32> to vector<1xf32>
    %squeeze3A_253 = vector.extract %slice3A_252[0] : f32 from vector<1xf32>
    %slice3A_254 = vector.extract_strided_slice %select_n3A_236 {offsets = [8], sizes = [1], strides = [1]} : vector<16xf32> to vector<1xf32>
    %squeeze3A_255 = vector.extract %slice3A_254[0] : f32 from vector<1xf32>
    %slice3A_256 = vector.extract_strided_slice %select_n3A_236 {offsets = [9], sizes = [1], strides = [1]} : vector<16xf32> to vector<1xf32>
    %squeeze3A_257 = vector.extract %slice3A_256[0] : f32 from vector<1xf32>
    %slice3A_258 = vector.extract_strided_slice %select_n3A_236 {offsets = [10], sizes = [1], strides = [1]} : vector<16xf32> to vector<1xf32>
    %squeeze3A_259 = vector.extract %slice3A_258[0] : f32 from vector<1xf32>
    %slice3A_260 = vector.extract_strided_slice %select_n3A_236 {offsets = [11], sizes = [1], strides = [1]} : vector<16xf32> to vector<1xf32>
    %squeeze3A_261 = vector.extract %slice3A_260[0] : f32 from vector<1xf32>
    %slice3A_262 = vector.extract_strided_slice %select_n3A_236 {offsets = [12], sizes = [1], strides = [1]} : vector<16xf32> to vector<1xf32>
    %squeeze3A_263 = vector.extract %slice3A_262[0] : f32 from vector<1xf32>
    %slice3A_264 = vector.extract_strided_slice %select_n3A_236 {offsets = [13], sizes = [1], strides = [1]} : vector<16xf32> to vector<1xf32>
    %squeeze3A_265 = vector.extract %slice3A_264[0] : f32 from vector<1xf32>
    %slice3A_266 = vector.extract_strided_slice %select_n3A_236 {offsets = [14], sizes = [1], strides = [1]} : vector<16xf32> to vector<1xf32>
    %squeeze3A_267 = vector.extract %slice3A_266[0] : f32 from vector<1xf32>
    %slice3A_268 = vector.extract_strided_slice %select_n3A_236 {offsets = [15], sizes = [1], strides = [1]} : vector<16xf32> to vector<1xf32>
    %squeeze3A_269 = vector.extract %slice3A_268[0] : f32 from vector<1xf32>
    %slice3A_270 = vector.extract_strided_slice %select_n3A_237 {offsets = [0], sizes = [1], strides = [1]} : vector<16xi32> to vector<1xi32>
    %squeeze3A_271 = vector.extract %slice3A_270[0] : i32 from vector<1xi32>
    %slice3A_272 = vector.extract_strided_slice %select_n3A_237 {offsets = [1], sizes = [1], strides = [1]} : vector<16xi32> to vector<1xi32>
    %squeeze3A_273 = vector.extract %slice3A_272[0] : i32 from vector<1xi32>
    %slice3A_274 = vector.extract_strided_slice %select_n3A_237 {offsets = [2], sizes = [1], strides = [1]} : vector<16xi32> to vector<1xi32>
    %squeeze3A_275 = vector.extract %slice3A_274[0] : i32 from vector<1xi32>
    %slice3A_276 = vector.extract_strided_slice %select_n3A_237 {offsets = [3], sizes = [1], strides = [1]} : vector<16xi32> to vector<1xi32>
    %squeeze3A_277 = vector.extract %slice3A_276[0] : i32 from vector<1xi32>
    %slice3A_278 = vector.extract_strided_slice %select_n3A_237 {offsets = [4], sizes = [1], strides = [1]} : vector<16xi32> to vector<1xi32>
    %squeeze3A_279 = vector.extract %slice3A_278[0] : i32 from vector<1xi32>
    %slice3A_280 = vector.extract_strided_slice %select_n3A_237 {offsets = [5], sizes = [1], strides = [1]} : vector<16xi32> to vector<1xi32>
    %squeeze3A_281 = vector.extract %slice3A_280[0] : i32 from vector<1xi32>
    %slice3A_282 = vector.extract_strided_slice %select_n3A_237 {offsets = [6], sizes = [1], strides = [1]} : vector<16xi32> to vector<1xi32>
    %squeeze3A_283 = vector.extract %slice3A_282[0] : i32 from vector<1xi32>
    %slice3A_284 = vector.extract_strided_slice %select_n3A_237 {offsets = [7], sizes = [1], strides = [1]} : vector<16xi32> to vector<1xi32>
    %squeeze3A_285 = vector.extract %slice3A_284[0] : i32 from vector<1xi32>
    %slice3A_286 = vector.extract_strided_slice %select_n3A_237 {offsets = [8], sizes = [1], strides = [1]} : vector<16xi32> to vector<1xi32>
    %squeeze3A_287 = vector.extract %slice3A_286[0] : i32 from vector<1xi32>
    %slice3A_288 = vector.extract_strided_slice %select_n3A_237 {offsets = [9], sizes = [1], strides = [1]} : vector<16xi32> to vector<1xi32>
    %squeeze3A_289 = vector.extract %slice3A_288[0] : i32 from vector<1xi32>
    %slice3A_290 = vector.extract_strided_slice %select_n3A_237 {offsets = [10], sizes = [1], strides = [1]} : vector<16xi32> to vector<1xi32>
    %squeeze3A_291 = vector.extract %slice3A_290[0] : i32 from vector<1xi32>
    %slice3A_292 = vector.extract_strided_slice %select_n3A_237 {offsets = [11], sizes = [1], strides = [1]} : vector<16xi32> to vector<1xi32>
    %squeeze3A_293 = vector.extract %slice3A_292[0] : i32 from vector<1xi32>
    %slice3A_294 = vector.extract_strided_slice %select_n3A_237 {offsets = [12], sizes = [1], strides = [1]} : vector<16xi32> to vector<1xi32>
    %squeeze3A_295 = vector.extract %slice3A_294[0] : i32 from vector<1xi32>
    %slice3A_296 = vector.extract_strided_slice %select_n3A_237 {offsets = [13], sizes = [1], strides = [1]} : vector<16xi32> to vector<1xi32>
    %squeeze3A_297 = vector.extract %slice3A_296[0] : i32 from vector<1xi32>
    %slice3A_298 = vector.extract_strided_slice %select_n3A_237 {offsets = [14], sizes = [1], strides = [1]} : vector<16xi32> to vector<1xi32>
    %squeeze3A_299 = vector.extract %slice3A_298[0] : i32 from vector<1xi32>
    %slice3A_300 = vector.extract_strided_slice %select_n3A_237 {offsets = [15], sizes = [1], strides = [1]} : vector<16xi32> to vector<1xi32>
    %squeeze3A_301 = vector.extract %slice3A_300[0] : i32 from vector<1xi32>
    %max3A_302 = arith.maximumf %squeeze3A_239, %squeeze3A_241 : f32
    %max3A_303 = arith.maximumf %max3A_302, %squeeze3A_243 : f32
    %max3A_304 = arith.maximumf %max3A_303, %squeeze3A_245 : f32
    %max3A_305 = arith.maximumf %max3A_304, %squeeze3A_247 : f32
    %max3A_306 = arith.maximumf %max3A_305, %squeeze3A_249 : f32
    %max3A_307 = arith.maximumf %max3A_306, %squeeze3A_251 : f32
    %max3A_308 = arith.maximumf %max3A_307, %squeeze3A_253 : f32
    %max3A_309 = arith.maximumf %max3A_308, %squeeze3A_255 : f32
    %max3A_310 = arith.maximumf %max3A_309, %squeeze3A_257 : f32
    %max3A_311 = arith.maximumf %max3A_310, %squeeze3A_259 : f32
    %max3A_312 = arith.maximumf %max3A_311, %squeeze3A_261 : f32
    %max3A_313 = arith.maximumf %max3A_312, %squeeze3A_263 : f32
    %max3A_314 = arith.maximumf %max3A_313, %squeeze3A_265 : f32
    %max3A_315 = arith.maximumf %max3A_314, %squeeze3A_267 : f32
    %max3A_316 = arith.maximumf %max3A_315, %squeeze3A_269 : f32
    %eq3A_317 = arith.cmpf oeq, %squeeze3A_239, %max3A_316 : f32
    %max3A_318 = arith.constant -1 : i32
    %max3A_319 = arith.maxsi %max3A_318, %squeeze3A_271 : i32
    %jit3A_320 = arith.constant -1 : i32
    %select_n3A_321 = arith.select %eq3A_317, %max3A_319, %jit3A_320 : i32
    %eq3A_322 = arith.cmpf oeq, %squeeze3A_241, %max3A_316 : f32
    %max3A_323 = arith.maxsi %select_n3A_321, %squeeze3A_273 : i32
    %select_n3A_324 = arith.select %eq3A_322, %max3A_323, %select_n3A_321 : i32
    %eq3A_325 = arith.cmpf oeq, %squeeze3A_243, %max3A_316 : f32
    %max3A_326 = arith.maxsi %select_n3A_324, %squeeze3A_275 : i32
    %select_n3A_327 = arith.select %eq3A_325, %max3A_326, %select_n3A_324 : i32
    %eq3A_328 = arith.cmpf oeq, %squeeze3A_245, %max3A_316 : f32
    %max3A_329 = arith.maxsi %select_n3A_327, %squeeze3A_277 : i32
    %select_n3A_330 = arith.select %eq3A_328, %max3A_329, %select_n3A_327 : i32
    %eq3A_331 = arith.cmpf oeq, %squeeze3A_247, %max3A_316 : f32
    %max3A_332 = arith.maxsi %select_n3A_330, %squeeze3A_279 : i32
    %select_n3A_333 = arith.select %eq3A_331, %max3A_332, %select_n3A_330 : i32
    %eq3A_334 = arith.cmpf oeq, %squeeze3A_249, %max3A_316 : f32
    %max3A_335 = arith.maxsi %select_n3A_333, %squeeze3A_281 : i32
    %select_n3A_336 = arith.select %eq3A_334, %max3A_335, %select_n3A_333 : i32
    %eq3A_337 = arith.cmpf oeq, %squeeze3A_251, %max3A_316 : f32
    %max3A_338 = arith.maxsi %select_n3A_336, %squeeze3A_283 : i32
    %select_n3A_339 = arith.select %eq3A_337, %max3A_338, %select_n3A_336 : i32
    %eq3A_340 = arith.cmpf oeq, %squeeze3A_253, %max3A_316 : f32
    %max3A_341 = arith.maxsi %select_n3A_339, %squeeze3A_285 : i32
    %select_n3A_342 = arith.select %eq3A_340, %max3A_341, %select_n3A_339 : i32
    %eq3A_343 = arith.cmpf oeq, %squeeze3A_255, %max3A_316 : f32
    %max3A_344 = arith.maxsi %select_n3A_342, %squeeze3A_287 : i32
    %select_n3A_345 = arith.select %eq3A_343, %max3A_344, %select_n3A_342 : i32
    %eq3A_346 = arith.cmpf oeq, %squeeze3A_257, %max3A_316 : f32
    %max3A_347 = arith.maxsi %select_n3A_345, %squeeze3A_289 : i32
    %select_n3A_348 = arith.select %eq3A_346, %max3A_347, %select_n3A_345 : i32
    %eq3A_349 = arith.cmpf oeq, %squeeze3A_259, %max3A_316 : f32
    %max3A_350 = arith.maxsi %select_n3A_348, %squeeze3A_291 : i32
    %select_n3A_351 = arith.select %eq3A_349, %max3A_350, %select_n3A_348 : i32
    %eq3A_352 = arith.cmpf oeq, %squeeze3A_261, %max3A_316 : f32
    %max3A_353 = arith.maxsi %select_n3A_351, %squeeze3A_293 : i32
    %select_n3A_354 = arith.select %eq3A_352, %max3A_353, %select_n3A_351 : i32
    %eq3A_355 = arith.cmpf oeq, %squeeze3A_263, %max3A_316 : f32
    %max3A_356 = arith.maxsi %select_n3A_354, %squeeze3A_295 : i32
    %select_n3A_357 = arith.select %eq3A_355, %max3A_356, %select_n3A_354 : i32
    %eq3A_358 = arith.cmpf oeq, %squeeze3A_265, %max3A_316 : f32
    %max3A_359 = arith.maxsi %select_n3A_357, %squeeze3A_297 : i32
    %select_n3A_360 = arith.select %eq3A_358, %max3A_359, %select_n3A_357 : i32
    %eq3A_361 = arith.cmpf oeq, %squeeze3A_267, %max3A_316 : f32
    %max3A_362 = arith.maxsi %select_n3A_360, %squeeze3A_299 : i32
    %select_n3A_363 = arith.select %eq3A_361, %max3A_362, %select_n3A_360 : i32
    %eq3A_364 = arith.cmpf oeq, %squeeze3A_269, %max3A_316 : f32
    %max3A_365 = arith.maxsi %select_n3A_363, %squeeze3A_301 : i32
    %select_n3A_366 = arith.select %eq3A_364, %max3A_365, %select_n3A_363 : i32
    %ge3A = arith.cmpf oge, %max3A_316, %max3A_167 : f32
    %select_n3A_367 = arith.select %ge3A, %select_n3A_366, %select_n3A_216 : i32
    %mul3A = arith.constant 2048 : i32
    %mul3A_368 = arith.muli %arg1, %mul3A : i32
    %add3A = arith.addi %mul3A_368, %select_n3A_367 : i32
    %broadcast_in_dim3A_369 = vector.broadcast %add3A : i32 to vector<16xi32>
    %dma_start3A_370 = arith.constant 0 : i32
    %dma_start3A_371 = arith.constant 0 : i32
    %dma_start3A_372 = tpu.memref_slice %arg5[%dma_start3A_370, %dma_start3A_371] : memref<32768x128xf32, #tpu.memory_space<hbm>> -> memref<32768x128xf32, #tpu.memory_space<hbm>>
    tpu.enqueue_indirect_dma source(%dma_start3A_372 : memref<32768x128xf32, #tpu.memory_space<hbm>>) target(%arg11 : memref<16x128xf32, #tpu.memory_space<vmem>>) offsets(%broadcast_in_dim3A_369 : vector<16xi32>) semaphore(%arg17 : memref<!tpu.dma_semaphore, #tpu.memory_space<semaphore_mem>>)
    %dma_start3A_373 = arith.constant 0 : i32
    %dma_start3A_374 = arith.constant 0 : i32
    %dma_start3A_375 = tpu.memref_slice %arg6[%dma_start3A_373, %dma_start3A_374] : memref<32768x128xf32, #tpu.memory_space<hbm>> -> memref<32768x128xf32, #tpu.memory_space<hbm>>
    tpu.enqueue_indirect_dma source(%dma_start3A_375 : memref<32768x128xf32, #tpu.memory_space<hbm>>) target(%arg12 : memref<16x128xf32, #tpu.memory_space<vmem>>) offsets(%broadcast_in_dim3A_369 : vector<16xi32>) semaphore(%arg18 : memref<!tpu.dma_semaphore, #tpu.memory_space<semaphore_mem>>)
    %dma_wait3A_376 = arith.constant 0 : i32
    %dma_wait3A_377 = arith.constant 0 : i32
    %dma_wait3A_378 = tpu.memref_slice %arg5[%dma_wait3A_376, %dma_wait3A_377] : memref<32768x128xf32, #tpu.memory_space<hbm>> -> memref<32768x128xf32, #tpu.memory_space<hbm>>
    tpu.wait_indirect_dma semaphore(%arg17 : memref<!tpu.dma_semaphore, #tpu.memory_space<semaphore_mem>>) src(%dma_wait3A_378 : memref<32768x128xf32, #tpu.memory_space<hbm>>) dst(%arg11 : memref<16x128xf32, #tpu.memory_space<vmem>>)
    %dma_wait3A_379 = arith.constant 0 : i32
    %dma_wait3A_380 = arith.constant 0 : i32
    %dma_wait3A_381 = tpu.memref_slice %arg6[%dma_wait3A_379, %dma_wait3A_380] : memref<32768x128xf32, #tpu.memory_space<hbm>> -> memref<32768x128xf32, #tpu.memory_space<hbm>>
    tpu.wait_indirect_dma semaphore(%arg18 : memref<!tpu.dma_semaphore, #tpu.memory_space<semaphore_mem>>) src(%dma_wait3A_381 : memref<32768x128xf32, #tpu.memory_space<hbm>>) dst(%arg12 : memref<16x128xf32, #tpu.memory_space<vmem>>)
    %get3A_382 = arith.constant 0 : i32
    %get3A_383 = arith.index_cast %get3A_382 : i32 to index
    %get3A_384 = arith.constant 0 : index
    %get3A_385 = tpu.vector_load %arg12[%get3A_383, %get3A_384] {strides = array<i32>} : memref<16x128xf32, #tpu.memory_space<vmem>>, vector<1x16xf32>,
    %get3A_386 = vector.shape_cast %get3A_385 : vector<1x16xf32> to vector<16xf32>
    %get3A_387 = arith.constant 0 : i32
    %get3A_388 = arith.index_cast %get3A_387 : i32 to index
    %get3A_389 = arith.constant 0 : index
    %get3A_390 = tpu.vector_load %arg11[%get3A_388, %get3A_389] {strides = array<i32>} : memref<16x128xf32, #tpu.memory_space<vmem>>, vector<1x16xf32>,
    %get3A_391 = vector.shape_cast %get3A_390 : vector<1x16xf32> to vector<16xf32>
    %select_n3A_392 = arith.select %ge3A, %get3A_386, %get3A_391 : vector<16xf32>
    %swap3A = arith.constant 0 : index
    %swap3A_393 = tpu.vector_load %arg13[%swap3A] {strides = array<i32>} : memref<144xf32, #tpu.memory_space<vmem>>, vector<16xf32>,
    %swap3A_394 = vector.shape_cast %swap3A_393 : vector<16xf32> to vector<16xf32>
    %swap3A_395 = vector.shape_cast %select_n3A_392 : vector<16xf32> to vector<16xf32>
    tpu.vector_store %arg13[%swap3A], %swap3A_395 {strides = array<i32>} : memref<144xf32, #tpu.memory_space<vmem>>, vector<16xf32>,
    %get3A_396 = arith.constant 0 : i32
    %get3A_397 = arith.index_cast %get3A_396 : i32 to index
    %get3A_398 = arith.constant 16 : index
    %get3A_399 = tpu.vector_load %arg12[%get3A_397, %get3A_398] {strides = array<i32>} : memref<16x128xf32, #tpu.memory_space<vmem>>, vector<1x16xf32>,
    %get3A_400 = vector.shape_cast %get3A_399 : vector<1x16xf32> to vector<16xf32>
    %get3A_401 = arith.constant 0 : i32
    %get3A_402 = arith.index_cast %get3A_401 : i32 to index
    %get3A_403 = arith.constant 16 : index
    %get3A_404 = tpu.vector_load %arg11[%get3A_402, %get3A_403] {strides = array<i32>} : memref<16x128xf32, #tpu.memory_space<vmem>>, vector<1x16xf32>,
    %get3A_405 = vector.shape_cast %get3A_404 : vector<1x16xf32> to vector<16xf32>
    %select_n3A_406 = arith.select %ge3A, %get3A_400, %get3A_405 : vector<16xf32>
    %swap3A_407 = arith.constant 16 : index
    %swap3A_408 = tpu.vector_load %arg13[%swap3A_407] {strides = array<i32>} : memref<144xf32, #tpu.memory_space<vmem>>, vector<16xf32>,
    %swap3A_409 = vector.shape_cast %swap3A_408 : vector<16xf32> to vector<16xf32>
    %swap3A_410 = vector.shape_cast %select_n3A_406 : vector<16xf32> to vector<16xf32>
    tpu.vector_store %arg13[%swap3A_407], %swap3A_410 {strides = array<i32>} : memref<144xf32, #tpu.memory_space<vmem>>, vector<16xf32>,
    %get3A_411 = arith.constant 0 : i32
    %get3A_412 = arith.index_cast %get3A_411 : i32 to index
    %get3A_413 = arith.constant 32 : index
    %get3A_414 = tpu.vector_load %arg12[%get3A_412, %get3A_413] {strides = array<i32>} : memref<16x128xf32, #tpu.memory_space<vmem>>, vector<1x16xf32>,
    %get3A_415 = vector.shape_cast %get3A_414 : vector<1x16xf32> to vector<16xf32>
    %get3A_416 = arith.constant 0 : i32
    %get3A_417 = arith.index_cast %get3A_416 : i32 to index
    %get3A_418 = arith.constant 32 : index
    %get3A_419 = tpu.vector_load %arg11[%get3A_417, %get3A_418] {strides = array<i32>} : memref<16x128xf32, #tpu.memory_space<vmem>>, vector<1x16xf32>,
    %get3A_420 = vector.shape_cast %get3A_419 : vector<1x16xf32> to vector<16xf32>
    %select_n3A_421 = arith.select %ge3A, %get3A_415, %get3A_420 : vector<16xf32>
    %swap3A_422 = arith.constant 32 : index
    %swap3A_423 = tpu.vector_load %arg13[%swap3A_422] {strides = array<i32>} : memref<144xf32, #tpu.memory_space<vmem>>, vector<16xf32>,
    %swap3A_424 = vector.shape_cast %swap3A_423 : vector<16xf32> to vector<16xf32>
    %swap3A_425 = vector.shape_cast %select_n3A_421 : vector<16xf32> to vector<16xf32>
    tpu.vector_store %arg13[%swap3A_422], %swap3A_425 {strides = array<i32>} : memref<144xf32, #tpu.memory_space<vmem>>, vector<16xf32>,
    %get3A_426 = arith.constant 0 : i32
    %get3A_427 = arith.index_cast %get3A_426 : i32 to index
    %get3A_428 = arith.constant 48 : index
    %get3A_429 = tpu.vector_load %arg12[%get3A_427, %get3A_428] {strides = array<i32>} : memref<16x128xf32, #tpu.memory_space<vmem>>, vector<1x16xf32>,
    %get3A_430 = vector.shape_cast %get3A_429 : vector<1x16xf32> to vector<16xf32>
    %get3A_431 = arith.constant 0 : i32
    %get3A_432 = arith.index_cast %get3A_431 : i32 to index
    %get3A_433 = arith.constant 48 : index
    %get3A_434 = tpu.vector_load %arg11[%get3A_432, %get3A_433] {strides = array<i32>} : memref<16x128xf32, #tpu.memory_space<vmem>>, vector<1x16xf32>,
    %get3A_435 = vector.shape_cast %get3A_434 : vector<1x16xf32> to vector<16xf32>
    %select_n3A_436 = arith.select %ge3A, %get3A_430, %get3A_435 : vector<16xf32>
    %swap3A_437 = arith.constant 48 : index
    %swap3A_438 = tpu.vector_load %arg13[%swap3A_437] {strides = array<i32>} : memref<144xf32, #tpu.memory_space<vmem>>, vector<16xf32>,
    %swap3A_439 = vector.shape_cast %swap3A_438 : vector<16xf32> to vector<16xf32>
    %swap3A_440 = vector.shape_cast %select_n3A_436 : vector<16xf32> to vector<16xf32>
    tpu.vector_store %arg13[%swap3A_437], %swap3A_440 {strides = array<i32>} : memref<144xf32, #tpu.memory_space<vmem>>, vector<16xf32>,
    %get3A_441 = arith.constant 0 : i32
    %get3A_442 = arith.index_cast %get3A_441 : i32 to index
    %get3A_443 = arith.constant 64 : index
    %get3A_444 = tpu.vector_load %arg12[%get3A_442, %get3A_443] {strides = array<i32>} : memref<16x128xf32, #tpu.memory_space<vmem>>, vector<1x16xf32>,
    %get3A_445 = vector.shape_cast %get3A_444 : vector<1x16xf32> to vector<16xf32>
    %get3A_446 = arith.constant 0 : i32
    %get3A_447 = arith.index_cast %get3A_446 : i32 to index
    %get3A_448 = arith.constant 64 : index
    %get3A_449 = tpu.vector_load %arg11[%get3A_447, %get3A_448] {strides = array<i32>} : memref<16x128xf32, #tpu.memory_space<vmem>>, vector<1x16xf32>,
    %get3A_450 = vector.shape_cast %get3A_449 : vector<1x16xf32> to vector<16xf32>
    %select_n3A_451 = arith.select %ge3A, %get3A_445, %get3A_450 : vector<16xf32>
    %swap3A_452 = arith.constant 64 : index
    %swap3A_453 = tpu.vector_load %arg13[%swap3A_452] {strides = array<i32>} : memref<144xf32, #tpu.memory_space<vmem>>, vector<16xf32>,
    %swap3A_454 = vector.shape_cast %swap3A_453 : vector<16xf32> to vector<16xf32>
    %swap3A_455 = vector.shape_cast %select_n3A_451 : vector<16xf32> to vector<16xf32>
    tpu.vector_store %arg13[%swap3A_452], %swap3A_455 {strides = array<i32>} : memref<144xf32, #tpu.memory_space<vmem>>, vector<16xf32>,
    %get3A_456 = arith.constant 0 : i32
    %get3A_457 = arith.index_cast %get3A_456 : i32 to index
    %get3A_458 = arith.constant 80 : index
    %get3A_459 = tpu.vector_load %arg12[%get3A_457, %get3A_458] {strides = array<i32>} : memref<16x128xf32, #tpu.memory_space<vmem>>, vector<1x16xf32>,
    %get3A_460 = vector.shape_cast %get3A_459 : vector<1x16xf32> to vector<16xf32>
    %get3A_461 = arith.constant 0 : i32
    %get3A_462 = arith.index_cast %get3A_461 : i32 to index
    %get3A_463 = arith.constant 80 : index
    %get3A_464 = tpu.vector_load %arg11[%get3A_462, %get3A_463] {strides = array<i32>} : memref<16x128xf32, #tpu.memory_space<vmem>>, vector<1x16xf32>,
    %get3A_465 = vector.shape_cast %get3A_464 : vector<1x16xf32> to vector<16xf32>
    %select_n3A_466 = arith.select %ge3A, %get3A_460, %get3A_465 : vector<16xf32>
    %swap3A_467 = arith.constant 80 : index
    %swap3A_468 = tpu.vector_load %arg13[%swap3A_467] {strides = array<i32>} : memref<144xf32, #tpu.memory_space<vmem>>, vector<16xf32>,
    %swap3A_469 = vector.shape_cast %swap3A_468 : vector<16xf32> to vector<16xf32>
    %swap3A_470 = vector.shape_cast %select_n3A_466 : vector<16xf32> to vector<16xf32>
    tpu.vector_store %arg13[%swap3A_467], %swap3A_470 {strides = array<i32>} : memref<144xf32, #tpu.memory_space<vmem>>, vector<16xf32>,
    %get3A_471 = arith.constant 0 : i32
    %get3A_472 = arith.index_cast %get3A_471 : i32 to index
    %get3A_473 = arith.constant 96 : index
    %get3A_474 = tpu.vector_load %arg12[%get3A_472, %get3A_473] {strides = array<i32>} : memref<16x128xf32, #tpu.memory_space<vmem>>, vector<1x16xf32>,
    %get3A_475 = vector.shape_cast %get3A_474 : vector<1x16xf32> to vector<16xf32>
    %get3A_476 = arith.constant 0 : i32
    %get3A_477 = arith.index_cast %get3A_476 : i32 to index
    %get3A_478 = arith.constant 96 : index
    %get3A_479 = tpu.vector_load %arg11[%get3A_477, %get3A_478] {strides = array<i32>} : memref<16x128xf32, #tpu.memory_space<vmem>>, vector<1x16xf32>,
    %get3A_480 = vector.shape_cast %get3A_479 : vector<1x16xf32> to vector<16xf32>
    %select_n3A_481 = arith.select %ge3A, %get3A_475, %get3A_480 : vector<16xf32>
    %swap3A_482 = arith.constant 96 : index
    %swap3A_483 = tpu.vector_load %arg13[%swap3A_482] {strides = array<i32>} : memref<144xf32, #tpu.memory_space<vmem>>, vector<16xf32>,
    %swap3A_484 = vector.shape_cast %swap3A_483 : vector<16xf32> to vector<16xf32>
    %swap3A_485 = vector.shape_cast %select_n3A_481 : vector<16xf32> to vector<16xf32>
    tpu.vector_store %arg13[%swap3A_482], %swap3A_485 {strides = array<i32>} : memref<144xf32, #tpu.memory_space<vmem>>, vector<16xf32>,
    %get3A_486 = arith.constant 0 : i32
    %get3A_487 = arith.index_cast %get3A_486 : i32 to index
    %get3A_488 = arith.constant 112 : index
    %get3A_489 = tpu.vector_load %arg12[%get3A_487, %get3A_488] {strides = array<i32>} : memref<16x128xf32, #tpu.memory_space<vmem>>, vector<1x16xf32>,
    %get3A_490 = vector.shape_cast %get3A_489 : vector<1x16xf32> to vector<16xf32>
    %get3A_491 = arith.constant 0 : i32
    %get3A_492 = arith.index_cast %get3A_491 : i32 to index
    %get3A_493 = arith.constant 112 : index
    %get3A_494 = tpu.vector_load %arg11[%get3A_492, %get3A_493] {strides = array<i32>} : memref<16x128xf32, #tpu.memory_space<vmem>>, vector<1x16xf32>,
    %get3A_495 = vector.shape_cast %get3A_494 : vector<1x16xf32> to vector<16xf32>
    %select_n3A_496 = arith.select %ge3A, %get3A_490, %get3A_495 : vector<16xf32>
    %swap3A_497 = arith.constant 112 : index
    %swap3A_498 = tpu.vector_load %arg13[%swap3A_497] {strides = array<i32>} : memref<144xf32, #tpu.memory_space<vmem>>, vector<16xf32>,
    %swap3A_499 = vector.shape_cast %swap3A_498 : vector<16xf32> to vector<16xf32>
    %swap3A_500 = vector.shape_cast %select_n3A_496 : vector<16xf32> to vector<16xf32>
    tpu.vector_store %arg13[%swap3A_497], %swap3A_500 {strides = array<i32>} : memref<144xf32, #tpu.memory_space<vmem>>, vector<16xf32>,
    %jit3A_501 = arith.constant 1.000000e+00 : f32
    %jit3A_502 = arith.constant 0.000000e+00 : f32
    %select_n3A_503 = arith.select %ge3A, %jit3A_501, %jit3A_502 : f32
    %broadcast_in_dim3A_504 = vector.broadcast %select_n3A_503 : f32 to vector<16xf32>
    %swap3A_505 = arith.constant 128 : index
    %swap3A_506 = tpu.vector_load %arg13[%swap3A_505] {strides = array<i32>} : memref<144xf32, #tpu.memory_space<vmem>>, vector<16xf32>,
    %swap3A_507 = vector.shape_cast %swap3A_506 : vector<16xf32> to vector<16xf32>
    %swap3A_508 = vector.shape_cast %broadcast_in_dim3A_504 : vector<16xf32> to vector<16xf32>
    tpu.vector_store %arg13[%swap3A_505], %swap3A_508 {strides = array<i32>} : memref<144xf32, #tpu.memory_space<vmem>>, vector<16xf32>,
    "tpu.region"() ({
      %run_scoped3A = tpu.sem_alloc : memref<!tpu.dma_semaphore, #tpu.memory_space<semaphore_mem>>
      %dma_start3A_509 = arith.constant 0 : i32
      %dma_start3A_510 = tpu.memref_slice %arg7[%arg1, %dma_start3A_509] : memref<16x144xf32, #tpu.memory_space<hbm>> -> memref<1x144xf32, #tpu.memory_space<hbm>>
      %dma_start3A_511 = tpu.memref_squeeze %dma_start3A_510 : memref<1x144xf32, #tpu.memory_space<hbm>> -> memref<144xf32, #tpu.memory_space<hbm>>
      %dma_start3A_512 = arith.constant 0 : i32
      %dma_start3A_513 = tpu.memref_slice %arg7[%arg1, %dma_start3A_512] : memref<16x144xf32, #tpu.memory_space<hbm>> -> memref<1x144xf32, #tpu.memory_space<hbm>>
      %dma_start3A_514 = tpu.memref_squeeze %dma_start3A_513 : memref<1x144xf32, #tpu.memory_space<hbm>> -> memref<144xf32, #tpu.memory_space<hbm>>
      tpu.enqueue_dma source(%arg13 : memref<144xf32, #tpu.memory_space<vmem>>) target(%dma_start3A_514 : memref<144xf32, #tpu.memory_space<hbm>>) target_semaphore(%run_scoped3A : memref<!tpu.dma_semaphore, #tpu.memory_space<semaphore_mem>>)
      %dma_wait3A_515 = arith.constant 0 : i32
      %dma_wait3A_516 = tpu.memref_slice %arg7[%arg1, %dma_wait3A_515] : memref<16x144xf32, #tpu.memory_space<hbm>> -> memref<1x144xf32, #tpu.memory_space<hbm>>
      %dma_wait3A_517 = tpu.memref_squeeze %dma_wait3A_516 : memref<1x144xf32, #tpu.memory_space<hbm>> -> memref<144xf32, #tpu.memory_space<hbm>>
      %dma_wait3A_518 = arith.constant 0 : i32
      %dma_wait3A_519 = tpu.memref_slice %arg7[%arg1, %dma_wait3A_518] : memref<16x144xf32, #tpu.memory_space<hbm>> -> memref<1x144xf32, #tpu.memory_space<hbm>>
      %dma_wait3A_520 = tpu.memref_squeeze %dma_wait3A_519 : memref<1x144xf32, #tpu.memory_space<hbm>> -> memref<144xf32, #tpu.memory_space<hbm>>
      tpu.wait_dma2 semaphore(%run_scoped3A : memref<!tpu.dma_semaphore, #tpu.memory_space<semaphore_mem>>) src(%arg13 : memref<144xf32, #tpu.memory_space<vmem>>) dst(%dma_wait3A_520 : memref<144xf32, #tpu.memory_space<hbm>>)
      tpu.yield
    }) : () -> ()
    return
  }
}

</mosaic_0001>

<sc_bundles>
// kernel: _sc_call.3.cloned.1.call-start
scs
__scs_entry_jumppad:
0x0: {  	(pc) =	sbr.rel $0x88, $3  }
0x1: {  	(tag) =	ssettag $0x0;
	lr =	simm.s32 $0x1  }
0x2: {  	[smem:$0x3F9C] =	sst lr;
	_ =	strace $0xD0000000  }
0x3: {  	_ = 	snop  }
0x4: {  	_ = 	snop  }
0x5: {  	_ = 	snop  }
0x6: {  	_ = 	snop  }
0x7: {  	_ = 	snop  }
__scs_overlays_trampoline_lowered:
0x8: {  	[smem:$0x3FAB] =	sst s0  }
0x9: {  	[smem:$0x3FAC] =	sst s1  }
0xa: {  	[smem:$0x3FAD] =	sst s2  }
0xb: {  	[smem:$0x3FAE] =	sst s3  }
0xc: {  	[smem:$0x3FAF] =	sst s4  }
0xd: {  	[smem:$0x3FB0] =	sst s5  }
0xe: {  	[smem:$0x3FB1] =	sst s6  }
0xf: {  	[smem:$0x3FB2] =	sst s7  }
0x10: {  	[smem:$0x3FB3] =	sst s8  }
0x11: {  	[smem:$0x3FB4] =	sst s9;
	s0 =	simm.s32 @!p0 $0x0  }
0x12: {  	s1 =	sld [smem:$0x3F9A];
	s0 =	simm.s32 @p0 $0x1  }
0x13: {  	[smem:$0x3FB5] =	sst s0;
	s0 =	simm.s32 @!p1 $0x0  }
0x14: {  	s2 =	sld [smem:$0x3F99];
	s0 =	simm.s32 @p1 $0x1  }
0x15: {  	[smem:$0x3FB6] =	sst s0;
	s0 =	simm.s32 @!p2 $0x0  }
0x16: {  	s3 =	sld [smem:$0x3FDB];
	s0 =	simm.s32 @p2 $0x1  }
0x17: {  	s4 =	simm.s32 $0x1BF5;
	[smem:$0x3FB8] =	sst s0  }
0x18: {  	s0 =	sld [smem:$0x3F9B];
	_ =	swait.ge [sflag:s4], $0x0  }
0x19: {  	s7 =	sld [smem:$0x3F9C]  }
0x1a: {  	s8 =	sadd.s32 $0xFFFFE003, lr  }
0x1b: {  	s9 =	sadd.s32 $0xFFFFFEF7, lr;
	s5 =	simm.s32 $0xFFFFFFFF;
	p2 =	slt.u32 s8, $0xFFFFF086  }
0x1c: {  	p1 =	slt.u32 s9, $0xF7A;
	s5 =	simm.s32 @!p2 $0x0  }
0x1d: {  	s5 =	simm.s32 @p1 $0x1;
	p0 =	seq.s32 s7, s2  }
0x1e: {  	s7 =	smul.u32 @!p0 $0xF7A, s2;
	p2 =	seq.s32 @!p0 s5, $0x0  }
0x1f: {  	s9 =	smul.u32 $0xF7A, s1;
	s8 =	simm.s32 @!p0 $0x1BF5;
	p2 =	por !p2, p0  }
0x20: {  	[sflag:s8] =	ssyncset.s32 @!p0 $0xFFFFF086;
	s6 =	sadd.s32 @!p0 s3, s7;
	s7 =	simm.s32 @!p0 $0x108  }
0x21: {  	s3 =	sadd.s32 s3, s9;
	s6 =	sadd.s32 @!p0 $0x88, s6;
	s7 =	simm.s32 @p2 $0x1082  }
0x22: {  	[simem:s7], [sflag:s8] =	dma.local @!p0 [hbm:s6], $0xF7A  }
0x23: {  	s9 =	sor.u32 $0xD0000000, s2;
	s6 =	simm.s32 $0x108;
	_ =	swait.ge @!p0 [sflag:s8], $0x0  }
0x24: {  	s3 =	sadd.s32 $0x88, s3;
	s6 =	simm.s32 @!p1 $0x1082;
	[sflag:s4] =	ssyncset.s32 $0xFFFFF086  }
0x25: {  	[simem:s6], [sflag:s4] =	dma.local [hbm:s3], $0xF7A  }
0x26: {  	[smem:$0x3F9C] =	sst s1;
	(tag) =	ssettag s2;
	_ =	strace s9  }
0x27: {  	s1 =	sld [smem:$0x3FAC]  }
0x28: {  	s2 =	sld [smem:$0x3FAD]  }
0x29: {  	s4 =	sld [smem:$0x3FAF]  }
0x2a: {  	p0 =	seq.s32 s5, $0x0;
	s5 =	sld [smem:$0x3FB0]  }
0x2b: {  	s6 =	sld [smem:$0x3FB1]  }
0x2c: {  	s7 =	sld [smem:$0x3FB2]  }
0x2d: {  	s3 =	simm.s32 $0x108;
	s8 =	sld [smem:$0x3FB3]  }
0x2e: {  	s3 =	simm.s32 @!p0 $0x1082;
	s9 =	sld [smem:$0x3FB4]  }
0x2f: {  	lr =	sadd.s32 s0, s3;
	s0 =	sld [smem:$0x3FAB]  }
0x30: {  	s3 =	sld [smem:$0x3FAE]  }
0x31: {  	[smem:$0x3FB7] =	sst s10  }
0x32: {  	s10 =	sld [smem:$0x3FB5];
	_ =	sdelay $0x3  }
0x33: {  	p0 =	seq.s32 s10, $0x1;
	s10 =	sld [smem:$0x3FB7];
	_ =	sdelay $0x3  }
0x34: {  	[smem:$0x3FB7] =	sst s10  }
0x35: {  	s10 =	sld [smem:$0x3FB6];
	_ =	sdelay $0x3  }
0x36: {  	p1 =	seq.s32 s10, $0x1;
	s10 =	sld [smem:$0x3FB7];
	_ =	sdelay $0x3  }
0x37: {  	[smem:$0x3FB7] =	sst s10  }
0x38: {  	s10 =	sld [smem:$0x3FB8]  }
0x39: {  	_ = 	snop;
	(pc) =	sbr.ind lr, $3  }
0x3a: {  	_ = 	snop  }
0x3b: {  	_ = 	snop  }
0x3c: {  	p2 =	seq.s32 s10, $0x1;
	s10 =	sld [smem:$0x3FB7]  }
0x3d: {  	_ =	shalt  }
0x3e: {  	_ =	shalt  }
0x3f: {  	_ =	shalt  }
0x40: {  	_ =	shalt  }
0x41: {  	_ =	shalt  }
0x42: {  	_ =	shalt  }
0x43: {  	_ =	shalt  }
0x44: {  	_ =	shalt  }
0x45: {  	_ =	shalt  }
0x46: {  	_ =	shalt  }
0x47: {  	_ =	shalt  }
0x48: {  	_ =	shalt  }
0x49: {  	_ =	shalt  }
0x4a: {  	_ =	shalt  }
0x4b: {  	_ =	shalt  }
0x4c: {  	_ =	shalt  }
0x4d: {  	_ =	shalt  }
0x4e: {  	_ =	shalt  }
0x4f: {  	_ =	shalt  }
0x50: {  	_ =	shalt  }
0x51: {  	_ =	shalt  }
0x52: {  	_ =	shalt  }
0x53: {  	_ =	shalt  }
0x54: {  	_ =	shalt  }
0x55: {  	_ =	shalt  }
0x56: {  	_ =	shalt  }
0x57: {  	_ =	shalt  }
0x58: {  	_ =	shalt  }
0x59: {  	_ =	shalt  }
0x5a: {  	_ =	shalt  }
0x5b: {  	_ =	shalt  }
0x5c: {  	_ =	shalt  }
0x5d: {  	_ =	shalt  }
0x5e: {  	_ =	shalt  }
0x5f: {  	_ =	shalt  }
0x60: {  	_ =	shalt  }
0x61: {  	_ =	shalt  }
0x62: {  	_ =	shalt  }
0x63: {  	_ =	shalt  }
0x64: {  	_ =	shalt  }
0x65: {  	_ =	shalt  }
0x66: {  	_ =	shalt  }
0x67: {  	_ =	shalt  }
0x68: {  	_ =	shalt  }
0x69: {  	_ =	shalt  }
0x6a: {  	_ =	shalt  }
0x6b: {  	_ =	shalt  }
0x6c: {  	_ =	shalt  }
0x6d: {  	_ =	shalt  }
0x6e: {  	_ =	shalt  }
0x6f: {  	_ =	shalt  }
0x70: {  	_ =	shalt  }
0x71: {  	_ =	shalt  }
0x72: {  	_ =	shalt  }
0x73: {  	_ =	shalt  }
0x74: {  	_ =	shalt  }
0x75: {  	_ =	shalt  }
0x76: {  	_ =	shalt  }
0x77: {  	_ =	shalt  }
0x78: {  	_ =	shalt  }
0x79: {  	_ =	shalt  }
0x7a: {  	_ =	shalt  }
0x7b: {  	_ =	shalt  }
0x7c: {  	_ =	shalt  }
0x7d: {  	_ =	shalt  }
0x7e: {  	_ =	shalt  }
0x7f: {  	_ =	shalt  }
0x80: {  	_ =	shalt  }
0x81: {  	_ =	shalt  }
0x82: {  	_ =	shalt  }
0x83: {  	_ =	shalt  }
0x84: {  	_ =	shalt  }
0x85: {  	_ =	shalt  }
0x86: {  	_ =	shalt  }
0x87: {  	_ =	shalt  }
.Lfunc_end0:
.L_simem_size_0:
called_computation_lowered:
.L_overlay_start_0:
0x88: {  	s0 =	sld [smem:$0x3FD9]  }
0x89: {  	s1 =	sld [smem:$0x3FFE];
	_ =	sdelay $0x3  }
0x8a: {  	s0 =	sadd.s32 s1, s0  }
0x8b: {  	[smem:$0x3FC3] =	sst s0  }
0x8c: {  	_ = 	snop  }
0x8d: {  	s0 =	sld [smem:$0x3FC9]  }
0x8e: {  	s17 =	sld [smem:$0x3FC8]  }
0x8f: {  	s2 =	sld [smem:$0x3FC7]  }
0x90: {  	s3 =	sld [smem:$0x3FC6]  }
0x91: {  	s4 =	sld [smem:$0x3FC5]  }
0x92: {  	s5 =	sld [smem:$0x3FD0];
	(tm) =	ssettm $0x1  }
0x93: {  	s6 =	sld [smem:$0x3FFB];
	_ =	sdelay $0x3  }
0x94: {  	_ =	strace s6  }
0x95: {  	s6 =	sld [smem:$0x3FFC];
	_ =	sdelay $0x3  }
0x96: {  	_ =	strace s6  }
0x97: {  	s6 =	sld [smem:$0x3FFD];
	_ =	sdelay $0x3  }
0x98: {  	_ =	strace s6  }
0x99: {  	_ =	strace $0x8FFFFFFF  }
0x9a: {  	s18 =	sld [smem:$0x3FDB];
	_ =	sdelay $0x1  }
0x9b: {  	s7 =	simm.s32 $_scs_section_size  }
0x9c: {  	s8 =	simm.s32 $_size__tile_overlayer_lowered;
	s9 =	simm.s32 $_tile_overlayer_lowered  }
0x9d: {  	s21 =	simm.s32 $0x1BFF;
	s20 =	sshll.u32 s9, $0x1;
	s6 =	sadd.s32 s7, s18  }
0x9e: {  	s10 =	simm.s32 $0x0;
	s19 =	sshll.u32 s8, $0x1;
	s8 =	sadd.s32 s20, s6  }
0x9f: {  	[timem:s10], [sflag:s21] =	dma.local [hbm:s8], s19  }
0xa0: {  	_ =	swait.ge [sflag:s21], s19  }
0xa1: {  	s7 =	ssub.s32 $0x0, s19;
	[sflag:s21] =	ssyncset.done $0x0  }
0xa2: {  	[sflag:s21] =	ssyncadd.s32 s7;
	_ =	sdelay $0x1  }
0xa3: {  	s22 =	simm.s32 $0x1B8B  }
0xa4: {  	_ =	swait.ge [sflag:s22], $0x1  }
0xa5: {  	[sflag:s22] =	ssyncset.done $0x0  }
0xa6: {  	s23 =	simm.s32 $0x1B8E;
	[sflag:s22] =	ssyncadd.s32 $0xFFFFFFFF  }
0xa7: {  	s24 =	simm.s32 $execute0_lowered;
	[smem:$0x3FD2] =	sst s23  }
0xa8: {  	s7 =	sshll.u32 s24, $0x1;
	_ =	strace $0x80000046;
	[dreg:$0x1] =	wrdreg $0xFFFFFFFF  }
0xa9: {  	s25 =	simm.s32 $_size_execute0_lowered;
	s6 =	sadd.s32 s6, s7;
	[dreg:$0x0] =	wrdreg $0x0  }
0xaa: {  	s7 =	sshll.u32 s25, $0x1;
	[dreg:$0x2] =	wrdreg s6  }
0xab: {  	[dreg:$0x3] =	wrdreg s7  }
0xac: {  	[dreg:$0x4] =	wrdreg $0xC0  }
0xad: {  	_ =	task [dreg:s10], $0x5FFFF  }
0xae: {  	[dreg:$0x1] =	wrdreg $0xFFFFFFFF  }
0xaf: {  	[dreg:$0x0] =	wrdreg $0x60  }
0xb0: {  	[dreg:$0x2] =	wrdreg s0  }
0xb1: {  	[dreg:$0x3] =	wrdreg s17  }
0xb2: {  	[dreg:$0x4] =	wrdreg s2  }
0xb3: {  	[dreg:$0x5] =	wrdreg s3  }
0xb4: {  	[dreg:$0x6] =	wrdreg s4  }
0xb5: {  	[dreg:$0x7] =	wrdreg s5  }
0xb6: {  	[dreg:$0x8] =	wrdreg $0x9  }
0xb7: {  	_ =	task.clear_ibuf [dreg:s10], $0x9FFFF;
	_ =	strace $0x90000046  }
0xb8: {  	s26 =	simm.s32 $0x9;
	_ =	strace $0x80000048  }
0xb9: {  	_ =	swait.ge [sflag:s26], $0x1  }
0xba: {  	[sflag:s26] =	ssyncadd.s32 $0xFFFFFFFF  }
0xbb: {  	_ =	strace $0x90000048  }
0xbc: {  	_ =	sfence  }
0xbd: {  	s28 =	sld [smem:$0x0];
	_ =	sdelay $0x1  }
0xbe: {  	s29 =	srdreg.scid  }
0xbf: {  	s30 =	sshll.u32 s29, $0xD;
	s31 =	sshrl.u32 s29, $0x2  }
0xc0: {  	s1 =	sand.u32 $0x1, s29;
	s2 =	sand.u32 $0x4000, s30;
	s0 =	sadd.s32 s31, s28  }
0xc1: {  	s1 =	sor.u32 s2, s1;
	s0 =	sshll.u32 s0, $0x11  }
0xc2: {  	s0 =	sor.u32 s0, s1  }
0xc3: {  	s0 =	sadd.s32 $0x8F2B, s0  }
0xc4: {  	[sflag:s0] =	ssyncadd.remote.s32 $0x1  }
0xc5: {  	_ =	sfence.sel $0xFFFF  }
0xc6: {  	[dreg:$0x0] =	wrdreg $0xFFFFFFFF;
	(pc) =	sbr.abs _section_cstart, $3  }
0xc7: {  	[dreg:$0x1] =	wrdreg $0xFFFFFFFF  }
0xc8: {  	_ =	task.clear_ibuf [dreg:s10], $0x2FFFF;
	_ =	strace $0x9FFFFFFF  }
0xc9: {  	(tm) =	ssettm $0x7FFFFFFF  }
tec
execute0_lowered:
.L_overlay_start_1:
0x0: {  	(tag) =	ssettag $0x1  }
0x1: {  	s0 =	rddreg [dreg:$0x0];
	s3 =	stileid.u32  }
0x2: {  	s1 =	rddreg [dreg:$0x1];
	s7 =	sshrl.u32 s3, $0x3;
	s3 =	sshll.u32 s3, $0x7  }
0x3: {  	s2 =	rddreg [dreg:$0x2];
	s8 =	sand.u32 $0x380, s3;
	s20 =	sshll.u32 s7, $0xE  }
0x4: {  	s4 =	simm.s32 $0x0;
	s5 =	simm.s32 $0x80;
	s3 =	sor.u32 s8, s20  }
0x5: {  	s6 =	simm.s32 $0x400;
	[smem:$0x7FF] =	sst s4;
	s3 =	sshrl.u32 s3, $0x3  }
0x6: {  	_ =	strace $0x80000047;
	s23 =	sshll.u32 s7, $0xA;
	s0 =	sadd.s32 s0, s3  }
0x7: {  	[tilespmem:s4], [sflag:$0x1] =	stream.strided.gather [hbm4b:s0+s5], $0x800, s6, s5, $0x38;
	[tilespmem:$0x2180] =	vst v63  }
0x8: {  	s22 =	simm.s32 $0x800;
	s24 =	simm.s32 $0x1000;
	s0 =	sor.u32 s8, s23  }
0x9: {  	[dreg:$0x7] =	wrdreg s7;
	s21 =	sadd.s32 s1, s3;
	s0 =	sshrl.u32 s0, $0x3  }
0xa: {  	[tilespmem:s22], [sflag:$0x2] =	stream.strided.gather [hbm4b:s21+s5], $0x800, s6, s5, $0x38;
	[tilespmem:$0x2180] =	vst v63  }
0xb: {  	s25 =	simm.s32 $0x1;
	[dreg:$0x8] =	wrdreg s8;
	s0 =	sadd.s32 s2, s0  }
0xc: {  	[tilespmem:s24], [sflag:$0x3] =	stream.linear.gather [hbm4b:s0+s4], $0x80, $0x38;
	[tilespmem:$0x2180] =	vst v63  }
0xd: {  	_ =	swait.ge [sflag:s25], $0x800  }
0xe: {  	[sflag:s25] =	ssyncset.done $0x0  }
0xf: {  	s26 =	simm.s32 $0x2;
	[sflag:s25] =	ssyncadd.s32 $0xFFFFF800  }
0x10: {  	_ =	swait.ge [sflag:s26], $0x800  }
0x11: {  	[sflag:s26] =	ssyncset.done $0x0  }
0x12: {  	s28 =	simm.s32 $0x3;
	[sflag:s26] =	ssyncadd.s32 $0xFFFFF800  }
0x13: {  	_ =	swait.ge [sflag:s28], $0x80  }
0x14: {  	[sflag:s28] =	ssyncset.done $0x0  }
0x15: {  	[sflag:s28] =	ssyncadd.s32 $0xFFFFFF80  }
0x16: {  	v0 =	vld [tilespmem:$0x1000]  }
0x17: {  	v14 =	vlaneseq.u32;
	v15 =	vimm.f32 $0.0e+00;
	v12 =	vimm.s32 $0x0;
	v1 =	vld [tilespmem:$0x1010]  }
0x18: {  	v20 =	vimm.f32 $0.0e+00;
	v18 =	vimm.f32 $0.0e+00;
	v19 =	vimm.f32 $0.0e+00;
	s0 =	simm.s32 $0x20  }
0x19: {  	v11 =	vimm.f32 $0.0e+00;
	v21 =	vimm.s32 $0x0;
	v22 =	vimm.s32 $0x0;
	v4 =	vld [tilespmem:s0+$0xFFFFFFE0]  }
0x1a: {  	v23 =	vimm.s32 $0x0;
	v7 =	vimm.s32 $0x0;
	v10 =	vimm.s32 $0x0;
	v5 =	vld [tilespmem:s0+$0xFFFFFFF0]  }
0x1b: {  	s29 =	simm.s32 $0x10;
	v8 =	vimm.s32 $0x0;
	v9 =	vimm.s32 $0x0;
	v6 =	vld [tilespmem:s0+$0x0];
	v0 =	vtrunc.f32 v0  }
0x1c: {  	s31 =	simm.s32 $0x30;
	v3 =	vor.u32 s29, v14;
	s1 =	simm.s32 $0x820;
	v27 =	vld [tilespmem:s0+$0x10];
	v13 =	vcvt.f32.s32 v0;
	v0 =	vtrunc.f32 v1  }
0x1d: {  	s30 =	simm.s32 $0x20;
	v2 =	vor.u32 s31, v14;
	v17 =	vld [tilespmem:s1+$0xFFFFFFE0];
	v16 =	vcvt.f32.s32 v0;
	v0 =	vor.u32 s4, v14  }
0x1e: {  	v24 =	vld [tilespmem:s1+$0xFFFFFFF0];
	v1 =	vor.u32 s30, v14;
	vm5 =	vlt.s32 v0, v13;
	vm6 =	vlt.s32 v3, v13  }
0x1f: {  	v25 =	vld [tilespmem:s1+$0x0];
	vm7 =	vlt.s32 v1, v13;
	vm4 =	vlt.s32 v2, v13;
	vm0 =	vlt.s32 v0, v16  }
0x20: {  	v26 =	vld [tilespmem:s1+$0x10];
	vm3 =	vlt.s32 v3, v16;
	vm2 =	vlt.s32 v1, v16;
	vm1 =	vlt.s32 v2, v16  }
0x21: {  	v29 =	vnsel vm5, $0x0, v4;
	v30 =	vnsel vm6, $0x0, v5;
	v28 =	vnsel vm7, $0x0, v6  }
0x22: {  	s2 =	simm.s32 $0x40;
	v6 =	vimm.f32 $0.0e+00;
	v4 =	vimm.f32 $0.0e+00;
	v5 =	vimm.f32 $0.0e+00  }
.LBB2_1:
0x23: {  	p0 =	sne.s32 s2, $0x7C0;
	v27 =	vnsel vm4, $0x0, v27;
	v17 =	vnsel vm0, $0x0, v17;
	v24 =	vnsel vm3, $0x0, v24  }
0x24: {  	vm0 =	vge.f32 v29, v15;
	vm3 =	vge.f32 v30, v20;
	v25 =	vnsel vm2, $0x0, v25  }
0x25: {  	v15 =	vsel vm0, v29, v15;
	v20 =	vsel vm3, v30, v20;
	v26 =	vnsel vm1, $0x0, v26  }
0x26: {  	vm2 =	vge.f32 v27, v19;
	vm4 =	vge.f32 v17, v11;
	vm1 =	vge.f32 v28, v18  }
0x27: {  	s0 =	sadd.s32 $0x40, s0;
	v19 =	vsel vm2, v27, v19;
	v11 =	vsel vm4, v17, v11;
	v18 =	vsel vm1, v28, v18  }
0x28: {  	vm5 =	vge.f32 v24, v6;
	vm6 =	vge.f32 v25, v4;
	vm7 =	vge.f32 v26, v5;
	v28 =	vld [tilespmem:s0+$0xFFFFFFE0]  }
0x29: {  	v6 =	vsel vm5, v24, v6;
	v4 =	vsel vm6, v25, v4;
	v5 =	vsel vm7, v26, v5;
	v30 =	vld [tilespmem:s0+$0xFFFFFFF0]  }
0x2a: {  	v12 =	vsel vm0, v0, v12;
	v21 =	vsel vm3, v3, v21;
	v22 =	vsel vm1, v1, v22;
	v31 =	vld [tilespmem:s0+$0x0]  }
0x2b: {  	s1 =	sadd.s32 $0x40, s1;
	v23 =	vsel vm2, v2, v23;
	v7 =	vsel vm4, v0, v7;
	v10 =	vsel vm5, v3, v10;
	v27 =	vld [tilespmem:s0+$0x10]  }
0x2c: {  	s3 =	sadd.s32 $0x10, s2;
	v0 =	vor.u32 s2, v14;
	v8 =	vsel vm6, v1, v8;
	v9 =	vsel vm7, v2, v9;
	v17 =	vld [tilespmem:s1+$0xFFFFFFE0]  }
.Ltmp0:
0x2d: {  	s4 =	sadd.s32 $0x20, s2;
	s5 =	sadd.s32 $0x30, s2;
	vm5 =	vlt.s32 v0, v13;
	vm0 =	vlt.s32 v0, v16;
	v24 =	vld [tilespmem:s1+$0xFFFFFFF0];
	(pc) =	sbr.rel @p0 .LBB2_1-.Ltmp0, $4  }
0x2e: {  	v3 =	vor.u32 s3, v14;
	v1 =	vor.u32 s4, v14;
	v2 =	vor.u32 s5, v14;
	v25 =	vld [tilespmem:s1+$0x0]  }
0x2f: {  	vm6 =	vlt.s32 v3, v13;
	vm7 =	vlt.s32 v1, v13;
	vm4 =	vlt.s32 v2, v13;
	v26 =	vld [tilespmem:s1+$0x10]  }
0x30: {  	vm3 =	vlt.s32 v3, v16;
	vm2 =	vlt.s32 v1, v16;
	vm1 =	vlt.s32 v2, v16  }
0x31: {  	s2 =	sadd.s32 $0x40, s2;
	v29 =	vnsel vm5, $0x0, v28;
	v30 =	vnsel vm6, $0x0, v30;
	v28 =	vnsel vm7, $0x0, v31  }
0x32: {  	vm5 =	vge.f32 v29, v15  }
0x33: {  	v13 =	vnsel vm4, $0x0, v27;
	vm15 =	vge.f32 v30, v20;
	vm6 =	vge.f32 v28, v18  }
0x34: {  	v14 =	vsel vm5, v29, v15;
	v46 =	vsel vm15, v30, v20;
	vm7 =	vge.f32 v13, v19  }
0x35: {  	v16 =	vsel vm6, v28, v18;
	v12 =	vsel vm5, v0, v12;
	v47 =	vsel vm15, v3, v21  }
0x36: {  	v48 =	vsel vm6, v1, v22;
	v13 =	vsel vm7, v13, v19;
	v49 =	vsel vm7, v2, v23  }
0x37: {  	vm9 =	vgt.f32 v46, v14;
	vm10 =	veq.f32 v46, v14;
	vm11 =	vgt.s32 v47, v12  }
0x38: {  	vm5 =	vmand vm10, vm11;
	vm12 =	veq.f32 v13, v16;
	vm7 =	vgt.s32 v49, v48  }
0x39: {  	vm13 =	vgt.f32 v13, v16;
	vm4 =	vmor vm9, vm5;
	vm6 =	vmand vm12, vm7  }
0x3a: {  	v14 =	vsel vm4, v46, v14;
	vm5 =	vmor vm13, vm6  }
0x3b: {  	v12 =	vsel vm4, v47, v12;
	v13 =	vsel vm5, v13, v16;
	v50 =	vsel vm5, v49, v48  }
0x3c: {  	vm14 =	veq.f32 v13, v14;
	vm5 =	vgt.s32 v50, v12  }
0x3d: {  	vm15 =	vgt.f32 v13, v14;
	vm4 =	vmand vm14, vm5  }
0x3e: {  	vm4 =	vmor vm15, vm4  }
0x3f: {  	v13 =	vsel vm4, v13, v14  }
0x40: {  	(v2sf) =	vpush v13, $0x0  }
0x41: {  	(v2sf) =	vpush v13, $0x1  }
0x42: {  	(v2sf) =	vpush v13, $0x2  }
0x43: {  	(v2sf) =	vpush v13, $0x3  }
0x44: {  	(v2sf) =	vpush v13, $0x4  }
0x45: {  	(v2sf) =	vpush v13, $0x5  }
0x46: {  	(v2sf) =	vpush v13, $0x6  }
0x47: {  	(v2sf) =	vpush v13, $0x7  }
0x48: {  	(v2sf) =	vpush v13, $0x8  }
0x49: {  	(v2sf) =	vpush v13, $0x9  }
0x4a: {  	(v2sf) =	vpush v13, $0xA  }
0x4b: {  	(v2sf) =	vpush v13, $0xB  }
0x4c: {  	v51 =	vnsel vm0, $0x0, v17;
	(v2sf) =	vpush v13, $0xC  }
0x4d: {  	v52 =	vnsel vm3, $0x0, v24;
	v53 =	vnsel vm2, $0x0, v25;
	(v2sf) =	vpush v13, $0xD  }
0x4e: {  	vm0 =	vge.f32 v51, v11;
	v54 =	vnsel vm1, $0x0, v26;
	(v2sf) =	vpush v13, $0xE  }
0x4f: {  	v11 =	vsel vm0, v51, v11;
	v12 =	vsel vm4, v50, v12;
	(v2sf) =	vpush v13, $0xF;
	s0 =	spop (v2sf)  }
0x50: {  	vm2 =	vge.f32 v53, v4;
	v55 =	vsel vm0, v0, v7;
	(v2sf) =	vpush v12, $0x0;
	s30 =	spop (v2sf)  }
0x51: {  	v4 =	vsel vm2, v53, v4;
	v57 =	vsel vm2, v1, v8;
	(v2sf) =	vpush v12, $0x1;
	s3 =	spop (v2sf)  }
0x52: {  	vm7 =	vge.f32 v54, v5;
	vm6 =	vge.f32 v52, v6;
	(v2sf) =	vpush v12, $0x2;
	s4 =	spop (v2sf)  }
0x53: {  	v5 =	vsel vm7, v54, v5;
	v58 =	vsel vm7, v2, v9;
	(v2sf) =	vpush v12, $0x3;
	s5 =	spop (v2sf)  }
0x54: {  	v6 =	vsel vm6, v52, v6;
	v56 =	vsel vm6, v3, v10;
	s2 =	smax.f32 s0, s30;
	(v2sf) =	vpush v12, $0x4;
	s7 =	spop (v2sf)  }
0x55: {  	vm11 =	veq.f32 v5, v4;
	vm3 =	vgt.s32 v58, v57;
	[dreg:$0x1b] =	wrdreg s3;
	(v2sf) =	vpush v12, $0x5;
	s8 =	spop (v2sf)  }
0x56: {  	vm12 =	vgt.f32 v5, v4;
	vm8 =	vgt.f32 v6, v11;
	s2 =	smax.f32 s2, s3;
	(v2sf) =	vpush v12, $0x6;
	s9 =	spop (v2sf)  }
0x57: {  	vm9 =	veq.f32 v6, v11;
	vm10 =	vgt.s32 v56, v55;
	[dreg:$0x1a] =	wrdreg s4;
	(v2sf) =	vpush v12, $0x7;
	s22 =	spop (v2sf)  }
0x58: {  	vm2 =	vmand vm11, vm3;
	vm1 =	vmand vm9, vm10;
	s3 =	smax.f32 s2, s4;
	(v2sf) =	vpush v12, $0x8;
	s17 =	spop (v2sf)  }
0x59: {  	vm0 =	vmor vm8, vm1;
	vm1 =	vmor vm12, vm2;
	[dreg:$0x19] =	wrdreg s5;
	(v2sf) =	vpush v12, $0x9;
	s21 =	spop (v2sf)  }
0x5a: {  	v6 =	vsel vm0, v6, v11;
	v0 =	vsel vm0, v56, v55;
	s4 =	smax.f32 s3, s5;
	(v2sf) =	vpush v12, $0xA;
	s20 =	spop (v2sf)  }
0x5b: {  	v59 =	vsel vm1, v5, v4;
	v1 =	vsel vm1, v58, v57;
	[dreg:$0x17] =	wrdreg s7;
	(v2sf) =	vpush v12, $0xB;
	s19 =	spop (v2sf)  }
0x5c: {  	vm13 =	veq.f32 v59, v6;
	vm1 =	vgt.s32 v1, v0;
	s5 =	smax.f32 s4, s7;
	s18 =	spop (v2sf);
	(v2sf) =	vpush v12, $0xC  }
0x5d: {  	vm14 =	vgt.f32 v59, v6;
	vm0 =	vmand vm13, vm1;
	[dreg:$0x15] =	wrdreg s8;
	s16 =	spop (v2sf);
	(v2sf) =	vpush v12, $0xD  }
0x5e: {  	vm0 =	vmor vm14, vm0;
	s7 =	smax.f32 s5, s8;
	s15 =	spop (v2sf);
	(v2sf) =	vpush v12, $0xE  }
0x5f: {  	v60 =	vsel vm0, v59, v6;
	[dreg:$0x13] =	wrdreg s9;
	s1 =	spop (v2sf);
	(v2sf) =	vpush v12, $0xF  }
0x60: {  	s8 =	smax.f32 s7, s9;
	s6 =	spop (v2sf);
	(v2sf) =	vpush v60, $0x0  }
0x61: {  	[dreg:$0x11] =	wrdreg s22;
	(v2sf) =	vpush v60, $0x1;
	s10 =	spop (v2sf)  }
0x62: {  	s9 =	smax.f32 s8, s22;
	(v2sf) =	vpush v60, $0x2;
	s11 =	spop (v2sf)  }
0x63: {  	[dreg:$0xf] =	wrdreg s17;
	(v2sf) =	vpush v60, $0x3;
	s12 =	spop (v2sf)  }
0x64: {  	s9 =	smax.f32 s9, s17;
	(v2sf) =	vpush v60, $0x4;
	s13 =	spop (v2sf)  }
0x65: {  	[dreg:$0xe] =	wrdreg s21;
	(v2sf) =	vpush v60, $0x5;
	s14 =	spop (v2sf)  }
0x66: {  	s9 =	smax.f32 s9, s21;
	(v2sf) =	vpush v60, $0x6;
	s8 =	spop (v2sf)  }
0x67: {  	[dreg:$0xd] =	wrdreg s20;
	(v2sf) =	vpush v60, $0x7;
	s17 =	spop (v2sf)  }
0x68: {  	s9 =	smax.f32 s9, s20;
	(v2sf) =	vpush v60, $0x8;
	s31 =	spop (v2sf)  }
0x69: {  	[dreg:$0xc] =	wrdreg s19;
	(v2sf) =	vpush v60, $0x9;
	s28 =	spop (v2sf)  }
0x6a: {  	s9 =	smax.f32 s9, s19;
	(v2sf) =	vpush v60, $0xA;
	s25 =	spop (v2sf)  }
0x6b: {  	s9 =	smax.f32 s9, s18;
	(v2sf) =	vpush v60, $0xB;
	s23 =	spop (v2sf)  }
0x6c: {  	[dreg:$0xa] =	wrdreg s16;
	s21 =	spop (v2sf)  }
0x6d: {  	s9 =	smax.f32 s9, s16;
	(v2sf) =	vpush v60, $0xC;
	s22 =	spop (v2sf)  }
0x6e: {  	[dreg:$0x9] =	wrdreg s15;
	s24 =	spop (v2sf)  }
0x6f: {  	s16 =	smax.f32 s9, s15;
	(v2sf) =	vpush v60, $0xD;
	s2 =	spop (v2sf)  }
0x70: {  	p0 =	seq.f32 s0, s16;
	s4 =	sshra.s32 s1, $0x1F;
	s3 =	spop (v2sf)  }
0x71: {  	s15 =	sor.u32 s4, s1;
	(v2sf) =	vpush v60, $0xE;
	s4 =	spop (v2sf);
	s5 =	smax.f32 s2, s3  }
0x72: {  	s0 =	smax.f32 s5, s4;
	s5 =	spop (v2sf)  }
0x73: {  	[dreg:$0xb] =	wrdreg s18;
	(v2sf) =	vpush v60, $0xF;
	s7 =	spop (v2sf)  }
0x74: {  	v0 =	vsel vm0, v1, v0;
	s0 =	smax.f32 s0, s5;
	s9 =	spop (v2sf)  }
0x75: {  	(v2sf) =	vpush v0, $0x0;
	s0 =	smax.f32 s0, s7;
	s18 =	spop (v2sf)  }
0x76: {  	s0 =	smax.f32 s0, s9;
	s19 =	spop (v2sf)  }
0x77: {  	s0 =	smax.f32 s0, s18;
	s20 =	spop (v2sf)  }
0x78: {  	(v2sf) =	vpush v0, $0x1;
	s0 =	smax.f32 s0, s19;
	s26 =	spop (v2sf)  }
0x79: {  	s0 =	smax.f32 s0, s20;
	s29 =	spop (v2sf)  }
0x7a: {  	s0 =	smax.f32 s0, s26;
	s1 =	spop (v2sf)  }
0x7b: {  	(v2sf) =	vpush v0, $0x2;
	s0 =	smax.f32 s0, s29;
	[dreg:$0x18] =	wrdreg s1  }
0x7c: {  	s0 =	smax.f32 s0, s1;
	s1 =	spop (v2sf)  }
0x7d: {  	[dreg:$0x16] =	wrdreg s1  }
0x7e: {  	s0 =	smax.f32 s0, s1;
	s1 =	spop (v2sf)  }
0x7f: {  	(v2sf) =	vpush v0, $0x3;
	[dreg:$0x14] =	wrdreg s1  }
0x80: {  	s0 =	smax.f32 s0, s1;
	s1 =	spop (v2sf)  }
0x81: {  	[dreg:$0x12] =	wrdreg s1  }
0x82: {  	s0 =	smax.f32 s0, s1;
	s1 =	spop (v2sf)  }
0x83: {  	p2 =	seq.f32 s30, s16;
	(v2sf) =	vpush v0, $0x4;
	[dreg:$0x10] =	wrdreg s1  }
0x84: {  	s15 =	simm.s32 @!p0 $0xFFFFFFFF;
	s0 =	smax.f32 s0, s1;
	s1 =	spop (v2sf)  }
0x85: {  	p1 =	sgt.s32 s15, s6;
	p0 =	seq.f32 s2, s0;
	s2 =	sshra.s32 s1, $0x1F  }
0x86: {  	s6 =	smov.u32 @p1 s15;
	(v2sf) =	vpush v0, $0x5;
	s30 =	sor.u32 s2, s1  }
0x87: {  	s15 =	smov.u32 @p2 s6;
	s1 =	spop (v2sf);
	s30 =	simm.s32 @!p0 $0xFFFFFFFF  }
0x88: {  	s6 =	rddreg [dreg:$0x1b];
	p0 =	seq.f32 s3, s0;
	p1 =	sgt.s32 s30, s1  }
0x89: {  	p2 =	seq.f32 s6, s16;
	s1 =	smov.u32 @p1 s30  }
0x8a: {  	(v2sf) =	vpush v0, $0x6;
	s30 =	smov.u32 @p0 s1;
	p0 =	sgt.s32 s15, s10;
	s1 =	spop (v2sf)  }
0x8b: {  	p1 =	seq.f32 s4, s0;
	s10 =	smov.u32 @p0 s15;
	p0 =	sgt.s32 s30, s1  }
0x8c: {  	s15 =	smov.u32 @p2 s10;
	s1 =	smov.u32 @p0 s30;
	s10 =	rddreg [dreg:$0x1a]  }
0x8d: {  	(v2sf) =	vpush v0, $0x7;
	p0 =	seq.f32 s10, s16;
	s30 =	smov.u32 @p1 s1;
	p1 =	sgt.s32 s15, s11  }
0x8e: {  	s1 =	spop (v2sf);
	s11 =	smov.u32 @p1 s15  }
0x8f: {  	p1 =	sgt.s32 s30, s1;
	s15 =	smov.u32 @p0 s11;
	p0 =	seq.f32 s5, s0  }
0x90: {  	s11 =	rddreg [dreg:$0x19];
	s1 =	smov.u32 @p1 s30  }
0x91: {  	(v2sf) =	vpush v0, $0x8;
	p2 =	seq.f32 s11, s16;
	s30 =	smov.u32 @p0 s1;
	p0 =	sgt.s32 s15, s12  }
0x92: {  	p1 =	seq.f32 s7, s0;
	s1 =	spop (v2sf);
	s12 =	smov.u32 @p0 s15  }
0x93: {  	p0 =	sgt.s32 s30, s1;
	s15 =	smov.u32 @p2 s12;
	s12 =	rddreg [dreg:$0x17]  }
0x94: {  	s6 =	rddreg [dreg:$0x18];
	s1 =	smov.u32 @p0 s30;
	p0 =	seq.f32 s12, s16  }
0x95: {  	(v2sf) =	vpush v0, $0x9;
	s30 =	smov.u32 @p1 s1;
	p1 =	sgt.s32 s15, s13;
	s1 =	spop (v2sf)  }
0x96: {  	s3 =	rddreg [dreg:$0xf];
	s13 =	smov.u32 @p1 s15;
	p1 =	sgt.s32 s30, s1  }
0x97: {  	s15 =	smov.u32 @p0 s13;
	p0 =	seq.f32 s9, s0;
	s13 =	rddreg [dreg:$0x15]  }
0x98: {  	s1 =	smov.u32 @p1 s30;
	p1 =	seq.f32 s18, s0;
	p2 =	seq.f32 s13, s16  }
0x99: {  	(v2sf) =	vpush v0, $0xA;
	s30 =	smov.u32 @p0 s1;
	p0 =	sgt.s32 s15, s14;
	s1 =	spop (v2sf)  }
0x9a: {  	s18 =	rddreg [dreg:$0x13];
	s14 =	smov.u32 @p0 s15;
	p0 =	sgt.s32 s30, s1  }
0x9b: {  	s15 =	smov.u32 @p2 s14;
	s1 =	smov.u32 @p0 s30;
	p0 =	seq.f32 s18, s16  }
0x9c: {  	(v2sf) =	vpush v0, $0xB;
	s30 =	smov.u32 @p1 s1;
	p1 =	sgt.s32 s15, s8;
	s1 =	spop (v2sf)  }
0x9d: {  	s4 =	rddreg [dreg:$0xe];
	s8 =	smov.u32 @p1 s15;
	p1 =	sgt.s32 s30, s1  }
0x9e: {  	s15 =	smov.u32 @p0 s8;
	p0 =	seq.f32 s19, s0;
	s19 =	rddreg [dreg:$0x11]  }
0x9f: {  	s10 =	rddreg [dreg:$0x14];
	s1 =	smov.u32 @p1 s30;
	p2 =	seq.f32 s19, s16  }
0xa0: {  	(v2sf) =	vpush v0, $0xC;
	s30 =	smov.u32 @p0 s1;
	p0 =	sgt.s32 s15, s17;
	s1 =	spop (v2sf)  }
0xa1: {  	p1 =	seq.f32 s20, s0;
	s17 =	smov.u32 @p0 s15;
	p0 =	sgt.s32 s30, s1  }
0xa2: {  	s5 =	rddreg [dreg:$0xd];
	s15 =	smov.u32 @p2 s17;
	s1 =	smov.u32 @p0 s30  }
0xa3: {  	(v2sf) =	vpush v0, $0xD;
	p0 =	seq.f32 s3, s16;
	s30 =	smov.u32 @p1 s1;
	p1 =	sgt.s32 s15, s31  }
0xa4: {  	s7 =	rddreg [dreg:$0xc];
	s1 =	spop (v2sf);
	s31 =	smov.u32 @p1 s15  }
0xa5: {  	p1 =	sgt.s32 s30, s1;
	s15 =	smov.u32 @p0 s31;
	p0 =	seq.f32 s26, s0  }
0xa6: {  	s11 =	rddreg [dreg:$0xa];
	(v2sf) =	vpush v0, $0xE;
	s1 =	smov.u32 @p1 s30  }
0xa7: {  	p2 =	seq.f32 s4, s16;
	s30 =	smov.u32 @p0 s1;
	p0 =	sgt.s32 s15, s28  }
0xa8: {  	s12 =	rddreg [dreg:$0x12];
	s1 =	spop (v2sf);
	s28 =	smov.u32 @p0 s15  }
0xa9: {  	p1 =	seq.f32 s29, s0;
	(v2sf) =	vpush v0, $0xF;
	p0 =	sgt.s32 s30, s1;
	s15 =	smov.u32 @p2 s28  }
0xaa: {  	s1 =	smov.u32 @p0 s30;
	p0 =	seq.f32 s5, s16;
	p2 =	sgt.s32 s15, s25  }
0xab: {  	s30 =	smov.u32 @p1 s1;
	s1 =	spop (v2sf);
	s25 =	smov.u32 @p2 s15  }
0xac: {  	p1 =	sgt.s32 s30, s1;
	s15 =	smov.u32 @p0 s25;
	p0 =	seq.f32 s6, s0  }
0xad: {  	s9 =	rddreg [dreg:$0xb];
	s1 =	smov.u32 @p1 s30  }
0xae: {  	p2 =	seq.f32 s7, s16;
	s30 =	smov.u32 @p0 s1;
	p0 =	sgt.s32 s15, s23  }
0xaf: {  	s8 =	rddreg [dreg:$0x16];
	s1 =	spop (v2sf);
	s23 =	smov.u32 @p0 s15  }
0xb0: {  	p1 =	seq.f32 s8, s0;
	p0 =	sgt.s32 s30, s1;
	s15 =	smov.u32 @p2 s23  }
0xb1: {  	s1 =	smov.u32 @p0 s30;
	p0 =	seq.f32 s9, s16;
	p2 =	sgt.s32 s15, s21  }
0xb2: {  	s30 =	smov.u32 @p1 s1;
	s1 =	spop (v2sf);
	s21 =	smov.u32 @p2 s15  }
0xb3: {  	p1 =	sgt.s32 s30, s1;
	s15 =	smov.u32 @p0 s21;
	p0 =	seq.f32 s10, s0  }
0xb4: {  	s13 =	rddreg [dreg:$0x9];
	p2 =	seq.f32 s11, s16;
	s1 =	smov.u32 @p1 s30  }
0xb5: {  	s30 =	smov.u32 @p0 s1;
	s1 =	spop (v2sf);
	p0 =	sgt.s32 s15, s22  }
0xb6: {  	p1 =	seq.f32 s12, s0;
	s22 =	smov.u32 @p0 s15;
	p0 =	sgt.s32 s30, s1  }
0xb7: {  	s14 =	rddreg [dreg:$0x10];
	s15 =	smov.u32 @p2 s22;
	s1 =	smov.u32 @p0 s30  }
0xb8: {  	p2 =	seq.f32 s13, s16;
	s30 =	smov.u32 @p1 s1;
	s1 =	spop (v2sf)  }
0xb9: {  	p1 =	seq.f32 s14, s0;
	p3 =	sgt.s32 s15, s24;
	p4 =	sgt.s32 s30, s1  }
0xba: {  	p0 =	sge.f32 s0, s16;
	s24 =	smov.u32 @p3 s15;
	s1 =	smov.u32 @p4 s30  }
0xbb: {  	s16 =	stileid.u32;
	s15 =	smov.u32 @p2 s24;
	s30 =	smov.u32 @p1 s1  }
0xbc: {  	s17 =	sshll.u32 s16, $0xB;
	s15 =	smov.u32 @p0 s30  }
0xbd: {  	s0 =	sadd.s32 s17, s15  }
0xbe: {  	v61 =	vmov s0;
	_ =	sdelay $0x3  }
0xbf: {  	vm15 =	vmmov $0xffff;
	s18 =	simm.s32 $0x0;
	s20 =	rddreg [dreg:$0x3];
	s19 =	simm.s32 $0x1080  }
0xc0: {  	[tilespmem:s19], [sflag:$0x4] =	stream.indirect_vreg.gather [hbm4b:s20+s18], $0x80, v61, vm15, $0xb8;
	[tilespmem:$0x2180] =	vst v63  }
0xc1: {  	s21 =	rddreg [dreg:$0x4];
	s22 =	simm.s32 $0x4;
	s1 =	simm.s32 $0x1880  }
0xc2: {  	[tilespmem:s1], [sflag:$0x5] =	stream.indirect_vreg.gather [hbm4b:s21+s18], $0x80, v61, vm15, $0xb8;
	[tilespmem:$0x2180] =	vst v63  }
0xc3: {  	_ =	swait.ge [sflag:s22], $0x800  }
0xc4: {  	[sflag:s22] =	ssyncset.done $0x0  }
0xc5: {  	s23 =	simm.s32 $0x5;
	[sflag:s22] =	ssyncadd.s32 $0xFFFFF800  }
0xc6: {  	_ =	swait.ge [sflag:s23], $0x800  }
0xc7: {  	[sflag:s23] =	ssyncset.done $0x0  }
0xc8: {  	s1 =	simm.s32 @!p0 $0x1080;
	[sflag:s23] =	ssyncadd.s32 $0xFFFFF800  }
0xc9: {  	v62 =	vld [tilespmem:s1+$0x0];
	_ =	sdelay $0x3  }
0xca: {  	s0 =	simm.s32 $0x1890  }
0xcb: {  	s0 =	simm.s32 @!p0 $0x1090;
	[tilespmem:$0x2080] =	vst v62  }
0xcc: {  	v0 =	vld [tilespmem:s0+$0x0];
	_ =	sdelay $0x3  }
0xcd: {  	s0 =	simm.s32 $0x18A0  }
0xce: {  	s0 =	simm.s32 @!p0 $0x10A0;
	[tilespmem:$0x2090] =	vst v0  }
0xcf: {  	v0 =	vld [tilespmem:s0+$0x0];
	_ =	sdelay $0x3  }
0xd0: {  	s0 =	simm.s32 $0x18B0  }
0xd1: {  	s0 =	simm.s32 @!p0 $0x10B0;
	[tilespmem:$0x20A0] =	vst v0  }
0xd2: {  	v0 =	vld [tilespmem:s0+$0x0];
	_ =	sdelay $0x3  }
0xd3: {  	s0 =	simm.s32 $0x18C0  }
0xd4: {  	s0 =	simm.s32 @!p0 $0x10C0;
	[tilespmem:$0x20B0] =	vst v0  }
0xd5: {  	v0 =	vld [tilespmem:s0+$0x0];
	_ =	sdelay $0x3  }
0xd6: {  	s0 =	simm.s32 $0x18D0  }
0xd7: {  	s0 =	simm.s32 @!p0 $0x10D0;
	[tilespmem:$0x20C0] =	vst v0  }
0xd8: {  	v0 =	vld [tilespmem:s0+$0x0];
	_ =	sdelay $0x3  }
0xd9: {  	s0 =	simm.s32 $0x18E0  }
0xda: {  	s0 =	simm.s32 @!p0 $0x10E0;
	[tilespmem:$0x20D0] =	vst v0  }
0xdb: {  	v0 =	vld [tilespmem:s0+$0x0];
	_ =	sdelay $0x3  }
0xdc: {  	s0 =	simm.s32 $0x18F0  }
0xdd: {  	s0 =	simm.s32 @!p0 $0x10F0;
	[tilespmem:$0x20E0] =	vst v0  }
0xde: {  	v0 =	vld [tilespmem:s0+$0x0]  }
0xdf: {  	s24 =	rddreg [dreg:$0x7];
	s1 =	simm.f32 $1.000000000e+00  }
0xe0: {  	s25 =	rddreg [dreg:$0x8];
	s1 =	simm.s32 @!p0 $0x0;
	s0 =	sshll.u32 s24, $0xB  }
0xe1: {  	s29 =	simm.s32 $0x400;
	v63 =	vmov s1;
	s0 =	sor.u32 s25, s0  }
0xe2: {  	s31 =	simm.s32 $0x6;
	s26 =	rddreg [dreg:$0x5];
	[tilespmem:$0x2100] =	vst v63;
	s0 =	sshrl.u32 s0, $0x3  }
0xe3: {  	s28 =	simm.s32 $0x80;
	s30 =	simm.s32 $0x2080;
	s0 =	sadd.s32 s26, s0;
	[tilespmem:$0x20F0] =	vst v0  }
0xe4: {  	[hbm4b:s0+s28] =	stream.strided.scatter [tilespmem:s30], [sflag:$0x6], $0x100, s29, s28, $0x38;
	[tilespmem:$0x2180] =	vst v63  }
0xe5: {  	_ =	swait.ge [sflag:s31], $0x100  }
0xe6: {  	[sflag:s31] =	ssyncset.done $0x0  }
0xe7: {  	[sflag:s31] =	ssyncadd.s32 $0xFFFFFF00  }
0xe8: {  	_ =	sfence.sel $0x180000  }
0xe9: {  	[bflag:$0x0] =	sbarrier.arrive $0xFFFF  }
0xea: {  	_ =	strace $0x90000047  }
0xeb: {  	[bflag:$0x2] =	sbarrier.arrive $0xFFFF  }
0xec: {  	p0 =	sne.s32 s16, $0x0;
	s0 =	rddreg [dreg:$0x6]  }
0xed: {  	s0 =	sadd.s32 @!p0 $0x100000, s0  }
0xee: {  	[sflag:s0] =	ssyncadd.tile.s32 @!p0 $0x1;
	_ =	shalt  }
.Lfunc_end2:
_tile_overlayer_lowered:
.L_overlay_start_2:
0xef: {  	(tag) =	ssettag $0x2  }
0xf0: {  	s0 =	rddreg [dreg:$0x0];
	s2 =	stileid.u32  }
0xf1: {  	s1 =	rddreg [dreg:$0x1];
	p0 =	sne.s32 s2, $0x0  }
0xf2: {  	s3 =	rddreg [dreg:$0x2];
	[bflag:$0x3] =	sbarrier.arrive $0xFFFF;
	s2 =	simm.s32 @!p0 $0x1C06  }
0xf3: {  	[timem:s3], [sflag:s2] =	dma.local @!p0 [hbm:s0], s1  }
0xf4: {  	s0 =	simm.s32 @!p0 $0x6  }
0xf5: {  	_ =	swait.ge @!p0 [sflag:s0], s1  }
0xf6: {  	s1 =	ssub.s32 @!p0 $0x0, s1;
	[sflag:s0] =	ssyncset.done @!p0 $0x0  }
0xf7: {  	[sflag:s0] =	ssyncadd.s32 @!p0 s1  }
0xf8: {  	[bflag:$0x3] =	sbarrier.arrive $0xFFFF  }
0xf9: {  	_ =	shalt  }

</sc_bundles>
